<compile_context>
chip_gen: v7x
topology: tpu7x:2x2x1
jax: 0.10.2.dev20260603
libtpu: 0.0.44.dev20260713+nightly
codegen_flags: <defaults>
</compile_context>

<pallas_src>
import functools

import jax
import jax.numpy as jnp
from jax import lax
from jax.experimental import pallas as pl
from jax.experimental.pallas import tpu as pltpu
from jax.experimental.pallas import tpu_sc as plsc

_VOCAB = 1_000_000
_EMB = 64
_B = 4096
_L = 50
_SCALE = 8.0

_NUM_CORES = 2
_NUM_SUBCORES = 16
_LANES = 16
_NW = _NUM_CORES * _NUM_SUBCORES

_B_TOTAL = _B * _L
_B_PER_W = _B_TOTAL // _NW
_CHUNK = 128
_N_CHUNKS = _B_PER_W // _CHUNK
_NBUF = 2


_TBLK = 16384


def _make_tc_widen_kernel():

  def body(tt_ref, wide_ref):
    t = tt_ref[...].T
    wide_ref[...] = jnp.concatenate([t, t], axis=1)

  return pl.pallas_call(
      body,
      grid=(pl.cdiv(_VOCAB, _TBLK),),
      in_specs=[pl.BlockSpec((_EMB, _TBLK), lambda i: (0, i))],
      out_specs=pl.BlockSpec((_TBLK, 2 * _EMB), lambda i: (i, 0)),
      out_shape=jax.ShapeDtypeStruct((_VOCAB, 2 * _EMB), jnp.float32),
  )


_tc_widen = _make_tc_widen_kernel()


def _make_sc_kernel():
  mesh = plsc.VectorSubcoreMesh(
      core_axis_name="c",
      subcore_axis_name="s",
      num_cores=_NUM_CORES,
      num_subcores=_NUM_SUBCORES,
  )

  @functools.partial(
      pl.kernel,
      out_type=jax.ShapeDtypeStruct((_B_TOTAL, _EMB), jnp.float32),
      mesh=mesh,
      compiler_params=pltpu.CompilerParams(use_tc_tiling_on_sc=False),
      scratch_types=[
          pltpu.VMEM((_N_CHUNKS, _CHUNK), jnp.int32),
          pltpu.VMEM((_NBUF, _CHUNK, _EMB), jnp.float32),
          pltpu.VMEM((_NBUF, _CHUNK, _EMB), jnp.float32),
          pltpu.SemaphoreType.DMA,
          pltpu.SemaphoreType.DMA,
          pltpu.SemaphoreType.DMA,
          pltpu.SemaphoreType.DMA,
      ],
  )
  def emb_kernel(idx_hbm, table_hbm, out_hbm, idx_v, gbuf, wbuf,
                 gsem0, gsem1, wsem0, wsem1):
    gsems = (gsem0, gsem1)
    wsems = (wsem0, wsem1)
    wid = lax.axis_index("s") * _NUM_CORES + lax.axis_index("c")
    base = wid * _CHUNK

    pltpu.sync_copy(idx_hbm.at[wid], idx_v)
    def dbl_row(g, carry):
      for col in range(_CHUNK // _LANES):
        sl = pl.ds(col * _LANES, _LANES)
        idx_v[g, sl] = idx_v[g, sl] * 2
      return carry

    lax.fori_loop(0, _N_CHUNKS, dbl_row, 0)

    def gather_start(g, b):
      pltpu.async_copy(table_hbm.at[idx_v.at[g]], gbuf.at[b], gsems[b])

    def gather_wait(b):
      pltpu.make_async_copy(table_hbm.at[idx_v.at[0]], gbuf.at[b],
                            gsems[b]).wait()

    def scale(b):
      def row(r, carry):
        for col in range(_EMB // _LANES):
          sl = pl.ds(col * _LANES, _LANES)
          wbuf[b, r, sl] = gbuf[b, r, sl] * _SCALE
        return carry
      lax.fori_loop(0, _CHUNK, row, 0)

    def write_start(g, b):
      off = g * _B + base
      pltpu.async_copy(wbuf.at[b], out_hbm.at[pl.ds(off, _CHUNK)], wsems[b])

    def write_wait(b):
      pltpu.make_async_copy(wbuf.at[b], out_hbm.at[pl.ds(0, _CHUNK)],
                            wsems[b]).wait()

    for b in range(_NBUF):
      gather_start(b, b)
    for i in range(_NBUF):
      b = i % _NBUF
      gather_wait(b)
      scale(b)
      gather_start(i + _NBUF, b)
      write_start(i, b)

    n_steady = (_N_CHUNKS - 2 * _NBUF) // _NBUF

    def steady(t, carry):
      i0 = _NBUF + t * _NBUF
      for b in range(_NBUF):
        i = i0 + b
        gather_wait(b)
        write_wait(b)
        scale(b)
        gather_start(i + _NBUF, b)
        write_start(i, b)
      return carry

    lax.fori_loop(0, n_steady, steady, 0)

    for i in range(_N_CHUNKS - _NBUF, _N_CHUNKS):
      b = i % _NBUF
      gather_wait(b)
      write_wait(b)
      scale(b)
      write_start(i, b)
    for b in range(_NBUF):
      write_wait(b)

  return emb_kernel


_emb_kernel = _make_sc_kernel()


@jax.jit
def kernel(tokens, table):
  wide = _tc_widen(table.T)
  flat = wide.reshape(2 * _VOCAB, _EMB)
  idx = tokens.reshape(_NW, _CHUNK, _N_CHUNKS).transpose(0, 2, 1)
  out = _emb_kernel(idx, flat)
  return out.reshape(_L, _B, _EMB).transpose(1, 0, 2)

# --- scband reference (transcript-rebuilt; emitter-appended) ---
"""Pipeline reference for scband-token-embedding-70480413328133 (READ-ONLY COPY).

The authoritative reference and input builder live on the scoring server;
editing this copy changes nothing except your own understanding.
"""

import jax, jax.numpy as jnp
import numpy as np

VOCAB = 1000000
EMB = 64
B = 4096
L = 50


def setup_inputs(seed: int = 0) -> dict:
    key = jax.random.key(seed)
    k_tok, k_tab = jax.random.split(key)
    tokens = jax.random.randint(k_tok, (B, L), 0, VOCAB, dtype=jnp.int32)
    table = jax.random.normal(k_tab, (VOCAB, EMB), dtype=jnp.float32) * 0.02
    return {"tokens": tokens, "table": table}


def reference(tokens, table):
    # Embedding lookup (gather) followed by sqrt(d) scaling, matching
    # TokenEmbedding.call: embedding(tokens) * sqrt(emb_size)
    emb = jnp.take(table, tokens, axis=0)
    return emb * jnp.sqrt(jnp.asarray(EMB, dtype=jnp.float32))

if __name__ == "__main__":
    import jax
    _d = setup_inputs()
    print(jax.jit(kernel)(*tuple(_d.values())))

</pallas_src>

<mosaic_0001>
#map = affine_map<(d0, d1) -> (0, 0, 0)>
#map1 = affine_map<(d0, d1) -> (0, 0)>
module attributes {stable_mosaic.version = 14 : i64} {
  func.func @emb_kernel(%arg0: i32, %arg1: i32, %arg2: memref<32x50x128xi32, #tpu.memory_space<hbm>>, %arg3: memref<2000000x64xf32, #tpu.memory_space<hbm>>, %arg4: memref<204800x64xf32, #tpu.memory_space<hbm>>, %arg5: memref<50x128xi32, #tpu.memory_space<vmem>>, %arg6: memref<2x128x64xf32, #tpu.memory_space<vmem>>, %arg7: memref<2x128x64xf32, #tpu.memory_space<vmem>>, %arg8: memref<!tpu.dma_semaphore, #tpu.memory_space<semaphore_mem>>, %arg9: memref<!tpu.dma_semaphore, #tpu.memory_space<semaphore_mem>>, %arg10: memref<!tpu.dma_semaphore, #tpu.memory_space<semaphore_mem>>, %arg11: memref<!tpu.dma_semaphore, #tpu.memory_space<semaphore_mem>>) attributes {dimension_semantics = [#tpu.dimension_semantics<core_parallel>, #tpu.dimension_semantics<subcore_parallel>], iteration_bounds = array<i64: 2, 16>, scalar_prefetch = 0 : i64, scratch_operands = 7 : i64, tpu.core_type = #tpu.core_type<sc_vector_subcore>, window_params = [{transform_indices = #map}, {transform_indices = #map1}, {transform_indices = #map1}]} {
    %mul3A = arith.constant 2 : i32
    %mul3A_0 = arith.muli %arg1, %mul3A : i32
    %add3A = arith.addi %mul3A_0, %arg0 : i32
    %mul3A_1 = arith.constant 128 : i32
    %mul3A_2 = arith.muli %add3A, %mul3A_1 : i32
    "tpu.region"() ({
      %run_scoped3A = tpu.sem_alloc : memref<!tpu.dma_semaphore, #tpu.memory_space<semaphore_mem>>
      %dma_start3A_252 = arith.constant 0 : i32
      %dma_start3A_253 = arith.constant 0 : i32
      %dma_start3A_254 = tpu.memref_slice %arg2[%add3A, %dma_start3A_252, %dma_start3A_253] : memref<32x50x128xi32, #tpu.memory_space<hbm>> -> memref<1x50x128xi32, #tpu.memory_space<hbm>>
      %dma_start3A_255 = tpu.memref_squeeze %dma_start3A_254 : memref<1x50x128xi32, #tpu.memory_space<hbm>> -> memref<50x128xi32, #tpu.memory_space<hbm>>
      %dma_start3A_256 = arith.constant 0 : i32
      %dma_start3A_257 = arith.constant 0 : i32
      %dma_start3A_258 = tpu.memref_slice %arg2[%add3A, %dma_start3A_256, %dma_start3A_257] : memref<32x50x128xi32, #tpu.memory_space<hbm>> -> memref<1x50x128xi32, #tpu.memory_space<hbm>>
      %dma_start3A_259 = tpu.memref_squeeze %dma_start3A_258 : memref<1x50x128xi32, #tpu.memory_space<hbm>> -> memref<50x128xi32, #tpu.memory_space<hbm>>
      tpu.enqueue_dma source(%dma_start3A_259 : memref<50x128xi32, #tpu.memory_space<hbm>>) target(%arg5 : memref<50x128xi32, #tpu.memory_space<vmem>>) target_semaphore(%run_scoped3A : memref<!tpu.dma_semaphore, #tpu.memory_space<semaphore_mem>>)
      %dma_wait3A_260 = arith.constant 0 : i32
      %dma_wait3A_261 = arith.constant 0 : i32
      %dma_wait3A_262 = tpu.memref_slice %arg2[%add3A, %dma_wait3A_260, %dma_wait3A_261] : memref<32x50x128xi32, #tpu.memory_space<hbm>> -> memref<1x50x128xi32, #tpu.memory_space<hbm>>
      %dma_wait3A_263 = tpu.memref_squeeze %dma_wait3A_262 : memref<1x50x128xi32, #tpu.memory_space<hbm>> -> memref<50x128xi32, #tpu.memory_space<hbm>>
      %dma_wait3A_264 = arith.constant 0 : i32
      %dma_wait3A_265 = arith.constant 0 : i32
      %dma_wait3A_266 = tpu.memref_slice %arg2[%add3A, %dma_wait3A_264, %dma_wait3A_265] : memref<32x50x128xi32, #tpu.memory_space<hbm>> -> memref<1x50x128xi32, #tpu.memory_space<hbm>>
      %dma_wait3A_267 = tpu.memref_squeeze %dma_wait3A_266 : memref<1x50x128xi32, #tpu.memory_space<hbm>> -> memref<50x128xi32, #tpu.memory_space<hbm>>
      tpu.wait_dma2 semaphore(%run_scoped3A : memref<!tpu.dma_semaphore, #tpu.memory_space<semaphore_mem>>) src(%dma_wait3A_267 : memref<50x128xi32, #tpu.memory_space<hbm>>) dst(%arg5 : memref<50x128xi32, #tpu.memory_space<vmem>>)
      tpu.yield
    }) : () -> ()
    %scan3A = arith.constant 0 : i32
    %scan3A_3 = arith.constant 0 : i32
    %scan3A_4 = arith.constant 50 : i32
    %scan3A_5 = arith.addi %scan3A_3, %scan3A_4 : i32
    %scan3A_6 = arith.constant 1 : i32
    scf.for %scan3A_252 = %scan3A_3 to %scan3A_5 step %scan3A_6  : i32 {
      %get3A = arith.index_cast %scan3A_252 : i32 to index
      %get3A_253 = arith.constant 0 : index
      %get3A_254 = tpu.vector_load %arg5[%get3A, %get3A_253] {strides = array<i32>} : memref<50x128xi32, #tpu.memory_space<vmem>>, vector<1x16xi32>,
      %get3A_255 = vector.shape_cast %get3A_254 : vector<1x16xi32> to vector<16xi32>
      %mul3A_256 = arith.constant 2 : i32
      %mul3A_257 = vector.broadcast %mul3A_256 : i32 to vector<16xi32>
      %mul3A_258 = arith.muli %get3A_255, %mul3A_257 : vector<16xi32>
      %swap3A = arith.index_cast %scan3A_252 : i32 to index
      %swap3A_259 = arith.constant 0 : index
      %swap3A_260 = tpu.vector_load %arg5[%swap3A, %swap3A_259] {strides = array<i32>} : memref<50x128xi32, #tpu.memory_space<vmem>>, vector<1x16xi32>,
      %swap3A_261 = vector.shape_cast %swap3A_260 : vector<1x16xi32> to vector<16xi32>
      %swap3A_262 = vector.shape_cast %mul3A_258 : vector<16xi32> to vector<1x16xi32>
      tpu.vector_store %arg5[%swap3A, %swap3A_259], %swap3A_262 {strides = array<i32>} : memref<50x128xi32, #tpu.memory_space<vmem>>, vector<1x16xi32>,
      %get3A_263 = arith.index_cast %scan3A_252 : i32 to index
      %get3A_264 = arith.constant 16 : index
      %get3A_265 = tpu.vector_load %arg5[%get3A_263, %get3A_264] {strides = array<i32>} : memref<50x128xi32, #tpu.memory_space<vmem>>, vector<1x16xi32>,
      %get3A_266 = vector.shape_cast %get3A_265 : vector<1x16xi32> to vector<16xi32>
      %mul3A_267 = arith.constant 2 : i32
      %mul3A_268 = vector.broadcast %mul3A_267 : i32 to vector<16xi32>
      %mul3A_269 = arith.muli %get3A_266, %mul3A_268 : vector<16xi32>
      %swap3A_270 = arith.index_cast %scan3A_252 : i32 to index
      %swap3A_271 = arith.constant 16 : index
      %swap3A_272 = tpu.vector_load %arg5[%swap3A_270, %swap3A_271] {strides = array<i32>} : memref<50x128xi32, #tpu.memory_space<vmem>>, vector<1x16xi32>,
      %swap3A_273 = vector.shape_cast %swap3A_272 : vector<1x16xi32> to vector<16xi32>
      %swap3A_274 = vector.shape_cast %mul3A_269 : vector<16xi32> to vector<1x16xi32>
      tpu.vector_store %arg5[%swap3A_270, %swap3A_271], %swap3A_274 {strides = array<i32>} : memref<50x128xi32, #tpu.memory_space<vmem>>, vector<1x16xi32>,
      %get3A_275 = arith.index_cast %scan3A_252 : i32 to index
      %get3A_276 = arith.constant 32 : index
      %get3A_277 = tpu.vector_load %arg5[%get3A_275, %get3A_276] {strides = array<i32>} : memref<50x128xi32, #tpu.memory_space<vmem>>, vector<1x16xi32>,
      %get3A_278 = vector.shape_cast %get3A_277 : vector<1x16xi32> to vector<16xi32>
      %mul3A_279 = arith.constant 2 : i32
      %mul3A_280 = vector.broadcast %mul3A_279 : i32 to vector<16xi32>
      %mul3A_281 = arith.muli %get3A_278, %mul3A_280 : vector<16xi32>
      %swap3A_282 = arith.index_cast %scan3A_252 : i32 to index
      %swap3A_283 = arith.constant 32 : index
      %swap3A_284 = tpu.vector_load %arg5[%swap3A_282, %swap3A_283] {strides = array<i32>} : memref<50x128xi32, #tpu.memory_space<vmem>>, vector<1x16xi32>,
      %swap3A_285 = vector.shape_cast %swap3A_284 : vector<1x16xi32> to vector<16xi32>
      %swap3A_286 = vector.shape_cast %mul3A_281 : vector<16xi32> to vector<1x16xi32>
      tpu.vector_store %arg5[%swap3A_282, %swap3A_283], %swap3A_286 {strides = array<i32>} : memref<50x128xi32, #tpu.memory_space<vmem>>, vector<1x16xi32>,
      %get3A_287 = arith.index_cast %scan3A_252 : i32 to index
      %get3A_288 = arith.constant 48 : index
      %get3A_289 = tpu.vector_load %arg5[%get3A_287, %get3A_288] {strides = array<i32>} : memref<50x128xi32, #tpu.memory_space<vmem>>, vector<1x16xi32>,
      %get3A_290 = vector.shape_cast %get3A_289 : vector<1x16xi32> to vector<16xi32>
      %mul3A_291 = arith.constant 2 : i32
      %mul3A_292 = vector.broadcast %mul3A_291 : i32 to vector<16xi32>
      %mul3A_293 = arith.muli %get3A_290, %mul3A_292 : vector<16xi32>
      %swap3A_294 = arith.index_cast %scan3A_252 : i32 to index
      %swap3A_295 = arith.constant 48 : index
      %swap3A_296 = tpu.vector_load %arg5[%swap3A_294, %swap3A_295] {strides = array<i32>} : memref<50x128xi32, #tpu.memory_space<vmem>>, vector<1x16xi32>,
      %swap3A_297 = vector.shape_cast %swap3A_296 : vector<1x16xi32> to vector<16xi32>
      %swap3A_298 = vector.shape_cast %mul3A_293 : vector<16xi32> to vector<1x16xi32>
      tpu.vector_store %arg5[%swap3A_294, %swap3A_295], %swap3A_298 {strides = array<i32>} : memref<50x128xi32, #tpu.memory_space<vmem>>, vector<1x16xi32>,
      %get3A_299 = arith.index_cast %scan3A_252 : i32 to index
      %get3A_300 = arith.constant 64 : index
      %get3A_301 = tpu.vector_load %arg5[%get3A_299, %get3A_300] {strides = array<i32>} : memref<50x128xi32, #tpu.memory_space<vmem>>, vector<1x16xi32>,
      %get3A_302 = vector.shape_cast %get3A_301 : vector<1x16xi32> to vector<16xi32>
      %mul3A_303 = arith.constant 2 : i32
      %mul3A_304 = vector.broadcast %mul3A_303 : i32 to vector<16xi32>
      %mul3A_305 = arith.muli %get3A_302, %mul3A_304 : vector<16xi32>
      %swap3A_306 = arith.index_cast %scan3A_252 : i32 to index
      %swap3A_307 = arith.constant 64 : index
      %swap3A_308 = tpu.vector_load %arg5[%swap3A_306, %swap3A_307] {strides = array<i32>} : memref<50x128xi32, #tpu.memory_space<vmem>>, vector<1x16xi32>,
      %swap3A_309 = vector.shape_cast %swap3A_308 : vector<1x16xi32> to vector<16xi32>
      %swap3A_310 = vector.shape_cast %mul3A_305 : vector<16xi32> to vector<1x16xi32>
      tpu.vector_store %arg5[%swap3A_306, %swap3A_307], %swap3A_310 {strides = array<i32>} : memref<50x128xi32, #tpu.memory_space<vmem>>, vector<1x16xi32>,
      %get3A_311 = arith.index_cast %scan3A_252 : i32 to index
      %get3A_312 = arith.constant 80 : index
      %get3A_313 = tpu.vector_load %arg5[%get3A_311, %get3A_312] {strides = array<i32>} : memref<50x128xi32, #tpu.memory_space<vmem>>, vector<1x16xi32>,
      %get3A_314 = vector.shape_cast %get3A_313 : vector<1x16xi32> to vector<16xi32>
      %mul3A_315 = arith.constant 2 : i32
      %mul3A_316 = vector.broadcast %mul3A_315 : i32 to vector<16xi32>
      %mul3A_317 = arith.muli %get3A_314, %mul3A_316 : vector<16xi32>
      %swap3A_318 = arith.index_cast %scan3A_252 : i32 to index
      %swap3A_319 = arith.constant 80 : index
      %swap3A_320 = tpu.vector_load %arg5[%swap3A_318, %swap3A_319] {strides = array<i32>} : memref<50x128xi32, #tpu.memory_space<vmem>>, vector<1x16xi32>,
      %swap3A_321 = vector.shape_cast %swap3A_320 : vector<1x16xi32> to vector<16xi32>
      %swap3A_322 = vector.shape_cast %mul3A_317 : vector<16xi32> to vector<1x16xi32>
      tpu.vector_store %arg5[%swap3A_318, %swap3A_319], %swap3A_322 {strides = array<i32>} : memref<50x128xi32, #tpu.memory_space<vmem>>, vector<1x16xi32>,
      %get3A_323 = arith.index_cast %scan3A_252 : i32 to index
      %get3A_324 = arith.constant 96 : index
      %get3A_325 = tpu.vector_load %arg5[%get3A_323, %get3A_324] {strides = array<i32>} : memref<50x128xi32, #tpu.memory_space<vmem>>, vector<1x16xi32>,
      %get3A_326 = vector.shape_cast %get3A_325 : vector<1x16xi32> to vector<16xi32>
      %mul3A_327 = arith.constant 2 : i32
      %mul3A_328 = vector.broadcast %mul3A_327 : i32 to vector<16xi32>
      %mul3A_329 = arith.muli %get3A_326, %mul3A_328 : vector<16xi32>
      %swap3A_330 = arith.index_cast %scan3A_252 : i32 to index
      %swap3A_331 = arith.constant 96 : index
      %swap3A_332 = tpu.vector_load %arg5[%swap3A_330, %swap3A_331] {strides = array<i32>} : memref<50x128xi32, #tpu.memory_space<vmem>>, vector<1x16xi32>,
      %swap3A_333 = vector.shape_cast %swap3A_332 : vector<1x16xi32> to vector<16xi32>
      %swap3A_334 = vector.shape_cast %mul3A_329 : vector<16xi32> to vector<1x16xi32>
      tpu.vector_store %arg5[%swap3A_330, %swap3A_331], %swap3A_334 {strides = array<i32>} : memref<50x128xi32, #tpu.memory_space<vmem>>, vector<1x16xi32>,
      %get3A_335 = arith.index_cast %scan3A_252 : i32 to index
      %get3A_336 = arith.constant 112 : index
      %get3A_337 = tpu.vector_load %arg5[%get3A_335, %get3A_336] {strides = array<i32>} : memref<50x128xi32, #tpu.memory_space<vmem>>, vector<1x16xi32>,
      %get3A_338 = vector.shape_cast %get3A_337 : vector<1x16xi32> to vector<16xi32>
      %mul3A_339 = arith.constant 2 : i32
      %mul3A_340 = vector.broadcast %mul3A_339 : i32 to vector<16xi32>
      %mul3A_341 = arith.muli %get3A_338, %mul3A_340 : vector<16xi32>
      %swap3A_342 = arith.index_cast %scan3A_252 : i32 to index
      %swap3A_343 = arith.constant 112 : index
      %swap3A_344 = tpu.vector_load %arg5[%swap3A_342, %swap3A_343] {strides = array<i32>} : memref<50x128xi32, #tpu.memory_space<vmem>>, vector<1x16xi32>,
      %swap3A_345 = vector.shape_cast %swap3A_344 : vector<1x16xi32> to vector<16xi32>
      %swap3A_346 = vector.shape_cast %mul3A_341 : vector<16xi32> to vector<1x16xi32>
      tpu.vector_store %arg5[%swap3A_342, %swap3A_343], %swap3A_346 {strides = array<i32>} : memref<50x128xi32, #tpu.memory_space<vmem>>, vector<1x16xi32>,
    }
    %scan3A_7 = arith.constant 50 : i32
    %dma_start3A = arith.constant 0 : i32
    %dma_start3A_8 = arith.constant 0 : i32
    %dma_start3A_9 = arith.constant 0 : i32
    %dma_start3A_10 = arith.constant 0 : i32
    %dma_start3A_11 = tpu.memref_slice %arg6[%dma_start3A_8, %dma_start3A_9, %dma_start3A_10] : memref<2x128x64xf32, #tpu.memory_space<vmem>> -> memref<1x128x64xf32, #tpu.memory_space<vmem>>
    %dma_start3A_12 = tpu.memref_squeeze %dma_start3A_11 : memref<1x128x64xf32, #tpu.memory_space<vmem>> -> memref<128x64xf32, #tpu.memory_space<vmem>>
    %dma_start3A_13 = arith.constant 0 : i32
    %dma_start3A_14 = tpu.memref_slice %arg5[%dma_start3A, %dma_start3A_13] : memref<50x128xi32, #tpu.memory_space<vmem>> -> memref<1x128xi32, #tpu.memory_space<vmem>>
    %dma_start3A_15 = tpu.memref_squeeze %dma_start3A_14 : memref<1x128xi32, #tpu.memory_space<vmem>> -> memref<128xi32, #tpu.memory_space<vmem>>
    %dma_start3A_16 = arith.constant 0 : i32
    %dma_start3A_17 = arith.constant 0 : i32
    %dma_start3A_18 = tpu.memref_slice %arg3[%dma_start3A_16, %dma_start3A_17] : memref<2000000x64xf32, #tpu.memory_space<hbm>> -> memref<2000000x64xf32, #tpu.memory_space<hbm>>
    tpu.enqueue_indirect_dma source(%dma_start3A_18 : memref<2000000x64xf32, #tpu.memory_space<hbm>>) target(%dma_start3A_12 : memref<128x64xf32, #tpu.memory_space<vmem>>) offsets(%dma_start3A_15 : memref<128xi32, #tpu.memory_space<vmem>>) semaphore(%arg8 : memref<!tpu.dma_semaphore, #tpu.memory_space<semaphore_mem>>)
    %dma_start3A_19 = arith.constant 1 : i32
    %dma_start3A_20 = arith.constant 1 : i32
    %dma_start3A_21 = arith.constant 0 : i32
    %dma_start3A_22 = arith.constant 0 : i32
    %dma_start3A_23 = tpu.memref_slice %arg6[%dma_start3A_20, %dma_start3A_21, %dma_start3A_22] : memref<2x128x64xf32, #tpu.memory_space<vmem>> -> memref<1x128x64xf32, #tpu.memory_space<vmem>>
    %dma_start3A_24 = tpu.memref_squeeze %dma_start3A_23 : memref<1x128x64xf32, #tpu.memory_space<vmem>> -> memref<128x64xf32, #tpu.memory_space<vmem>>
    %dma_start3A_25 = arith.constant 0 : i32
    %dma_start3A_26 = tpu.memref_slice %arg5[%dma_start3A_19, %dma_start3A_25] : memref<50x128xi32, #tpu.memory_space<vmem>> -> memref<1x128xi32, #tpu.memory_space<vmem>>
    %dma_start3A_27 = tpu.memref_squeeze %dma_start3A_26 : memref<1x128xi32, #tpu.memory_space<vmem>> -> memref<128xi32, #tpu.memory_space<vmem>>
    %dma_start3A_28 = arith.constant 0 : i32
    %dma_start3A_29 = arith.constant 0 : i32
    %dma_start3A_30 = tpu.memref_slice %arg3[%dma_start3A_28, %dma_start3A_29] : memref<2000000x64xf32, #tpu.memory_space<hbm>> -> memref<2000000x64xf32, #tpu.memory_space<hbm>>
    tpu.enqueue_indirect_dma source(%dma_start3A_30 : memref<2000000x64xf32, #tpu.memory_space<hbm>>) target(%dma_start3A_24 : memref<128x64xf32, #tpu.memory_space<vmem>>) offsets(%dma_start3A_27 : memref<128xi32, #tpu.memory_space<vmem>>) semaphore(%arg9 : memref<!tpu.dma_semaphore, #tpu.memory_space<semaphore_mem>>)
    %dma_wait3A = arith.constant 0 : i32
    %dma_wait3A_31 = arith.constant 0 : i32
    %dma_wait3A_32 = arith.constant 0 : i32
    %dma_wait3A_33 = arith.constant 0 : i32
    %dma_wait3A_34 = tpu.memref_slice %arg6[%dma_wait3A_31, %dma_wait3A_32, %dma_wait3A_33] : memref<2x128x64xf32, #tpu.memory_space<vmem>> -> memref<1x128x64xf32, #tpu.memory_space<vmem>>
    %dma_wait3A_35 = tpu.memref_squeeze %dma_wait3A_34 : memref<1x128x64xf32, #tpu.memory_space<vmem>> -> memref<128x64xf32, #tpu.memory_space<vmem>>
    %dma_wait3A_36 = arith.constant 0 : i32
    %dma_wait3A_37 = tpu.memref_slice %arg5[%dma_wait3A, %dma_wait3A_36] : memref<50x128xi32, #tpu.memory_space<vmem>> -> memref<1x128xi32, #tpu.memory_space<vmem>>
    %dma_wait3A_38 = tpu.memref_squeeze %dma_wait3A_37 : memref<1x128xi32, #tpu.memory_space<vmem>> -> memref<128xi32, #tpu.memory_space<vmem>>
    %dma_wait3A_39 = arith.constant 0 : i32
    %dma_wait3A_40 = arith.constant 0 : i32
    %dma_wait3A_41 = tpu.memref_slice %arg3[%dma_wait3A_39, %dma_wait3A_40] : memref<2000000x64xf32, #tpu.memory_space<hbm>> -> memref<2000000x64xf32, #tpu.memory_space<hbm>>
    tpu.wait_indirect_dma semaphore(%arg8 : memref<!tpu.dma_semaphore, #tpu.memory_space<semaphore_mem>>) src(%dma_wait3A_41 : memref<2000000x64xf32, #tpu.memory_space<hbm>>) dst(%dma_wait3A_35 : memref<128x64xf32, #tpu.memory_space<vmem>>)
    %scan3A_42 = arith.constant 0 : i32
    %scan3A_43 = arith.constant 0 : i32
    %scan3A_44 = arith.constant 128 : i32
    %scan3A_45 = arith.addi %scan3A_43, %scan3A_44 : i32
    %scan3A_46 = arith.constant 1 : i32
    scf.for %scan3A_252 = %scan3A_43 to %scan3A_45 step %scan3A_46  : i32 {
      %get3A = arith.constant 0 : i32
      %get3A_253 = arith.index_cast %get3A : i32 to index
      %get3A_254 = arith.index_cast %scan3A_252 : i32 to index
      %get3A_255 = arith.constant 0 : index
      %get3A_256 = tpu.vector_load %arg6[%get3A_253, %get3A_254, %get3A_255] {strides = array<i32>} : memref<2x128x64xf32, #tpu.memory_space<vmem>>, vector<1x1x16xf32>,
      %get3A_257 = vector.shape_cast %get3A_256 : vector<1x1x16xf32> to vector<16xf32>
      %mul3A_258 = arith.constant 8.000000e+00 : f32
      %mul3A_259 = vector.broadcast %mul3A_258 : f32 to vector<16xf32>
      %mul3A_260 = arith.mulf %get3A_257, %mul3A_259 : vector<16xf32>
      %swap3A = arith.constant 0 : i32
      %swap3A_261 = arith.index_cast %swap3A : i32 to index
      %swap3A_262 = arith.index_cast %scan3A_252 : i32 to index
      %swap3A_263 = arith.constant 0 : index
      %swap3A_264 = tpu.vector_load %arg7[%swap3A_261, %swap3A_262, %swap3A_263] {strides = array<i32>} : memref<2x128x64xf32, #tpu.memory_space<vmem>>, vector<1x1x16xf32>,
      %swap3A_265 = vector.shape_cast %swap3A_264 : vector<1x1x16xf32> to vector<16xf32>
      %swap3A_266 = vector.shape_cast %mul3A_260 : vector<16xf32> to vector<1x1x16xf32>
      tpu.vector_store %arg7[%swap3A_261, %swap3A_262, %swap3A_263], %swap3A_266 {strides = array<i32>} : memref<2x128x64xf32, #tpu.memory_space<vmem>>, vector<1x1x16xf32>,
      %get3A_267 = arith.constant 0 : i32
      %get3A_268 = arith.index_cast %get3A_267 : i32 to index
      %get3A_269 = arith.index_cast %scan3A_252 : i32 to index
      %get3A_270 = arith.constant 16 : index
      %get3A_271 = tpu.vector_load %arg6[%get3A_268, %get3A_269, %get3A_270] {strides = array<i32>} : memref<2x128x64xf32, #tpu.memory_space<vmem>>, vector<1x1x16xf32>,
      %get3A_272 = vector.shape_cast %get3A_271 : vector<1x1x16xf32> to vector<16xf32>
      %mul3A_273 = arith.constant 8.000000e+00 : f32
      %mul3A_274 = vector.broadcast %mul3A_273 : f32 to vector<16xf32>
      %mul3A_275 = arith.mulf %get3A_272, %mul3A_274 : vector<16xf32>
      %swap3A_276 = arith.constant 0 : i32
      %swap3A_277 = arith.index_cast %swap3A_276 : i32 to index
      %swap3A_278 = arith.index_cast %scan3A_252 : i32 to index
      %swap3A_279 = arith.constant 16 : index
      %swap3A_280 = tpu.vector_load %arg7[%swap3A_277, %swap3A_278, %swap3A_279] {strides = array<i32>} : memref<2x128x64xf32, #tpu.memory_space<vmem>>, vector<1x1x16xf32>,
      %swap3A_281 = vector.shape_cast %swap3A_280 : vector<1x1x16xf32> to vector<16xf32>
      %swap3A_282 = vector.shape_cast %mul3A_275 : vector<16xf32> to vector<1x1x16xf32>
      tpu.vector_store %arg7[%swap3A_277, %swap3A_278, %swap3A_279], %swap3A_282 {strides = array<i32>} : memref<2x128x64xf32, #tpu.memory_space<vmem>>, vector<1x1x16xf32>,
      %get3A_283 = arith.constant 0 : i32
      %get3A_284 = arith.index_cast %get3A_283 : i32 to index
      %get3A_285 = arith.index_cast %scan3A_252 : i32 to index
      %get3A_286 = arith.constant 32 : index
      %get3A_287 = tpu.vector_load %arg6[%get3A_284, %get3A_285, %get3A_286] {strides = array<i32>} : memref<2x128x64xf32, #tpu.memory_space<vmem>>, vector<1x1x16xf32>,
      %get3A_288 = vector.shape_cast %get3A_287 : vector<1x1x16xf32> to vector<16xf32>
      %mul3A_289 = arith.constant 8.000000e+00 : f32
      %mul3A_290 = vector.broadcast %mul3A_289 : f32 to vector<16xf32>
      %mul3A_291 = arith.mulf %get3A_288, %mul3A_290 : vector<16xf32>
      %swap3A_292 = arith.constant 0 : i32
      %swap3A_293 = arith.index_cast %swap3A_292 : i32 to index
      %swap3A_294 = arith.index_cast %scan3A_252 : i32 to index
      %swap3A_295 = arith.constant 32 : index
      %swap3A_296 = tpu.vector_load %arg7[%swap3A_293, %swap3A_294, %swap3A_295] {strides = array<i32>} : memref<2x128x64xf32, #tpu.memory_space<vmem>>, vector<1x1x16xf32>,
      %swap3A_297 = vector.shape_cast %swap3A_296 : vector<1x1x16xf32> to vector<16xf32>
      %swap3A_298 = vector.shape_cast %mul3A_291 : vector<16xf32> to vector<1x1x16xf32>
      tpu.vector_store %arg7[%swap3A_293, %swap3A_294, %swap3A_295], %swap3A_298 {strides = array<i32>} : memref<2x128x64xf32, #tpu.memory_space<vmem>>, vector<1x1x16xf32>,
      %get3A_299 = arith.constant 0 : i32
      %get3A_300 = arith.index_cast %get3A_299 : i32 to index
      %get3A_301 = arith.index_cast %scan3A_252 : i32 to index
      %get3A_302 = arith.constant 48 : index
      %get3A_303 = tpu.vector_load %arg6[%get3A_300, %get3A_301, %get3A_302] {strides = array<i32>} : memref<2x128x64xf32, #tpu.memory_space<vmem>>, vector<1x1x16xf32>,
      %get3A_304 = vector.shape_cast %get3A_303 : vector<1x1x16xf32> to vector<16xf32>
      %mul3A_305 = arith.constant 8.000000e+00 : f32
      %mul3A_306 = vector.broadcast %mul3A_305 : f32 to vector<16xf32>
      %mul3A_307 = arith.mulf %get3A_304, %mul3A_306 : vector<16xf32>
      %swap3A_308 = arith.constant 0 : i32
      %swap3A_309 = arith.index_cast %swap3A_308 : i32 to index
      %swap3A_310 = arith.index_cast %scan3A_252 : i32 to index
      %swap3A_311 = arith.constant 48 : index
      %swap3A_312 = tpu.vector_load %arg7[%swap3A_309, %swap3A_310, %swap3A_311] {strides = array<i32>} : memref<2x128x64xf32, #tpu.memory_space<vmem>>, vector<1x1x16xf32>,
      %swap3A_313 = vector.shape_cast %swap3A_312 : vector<1x1x16xf32> to vector<16xf32>
      %swap3A_314 = vector.shape_cast %mul3A_307 : vector<16xf32> to vector<1x1x16xf32>
      tpu.vector_store %arg7[%swap3A_309, %swap3A_310, %swap3A_311], %swap3A_314 {strides = array<i32>} : memref<2x128x64xf32, #tpu.memory_space<vmem>>, vector<1x1x16xf32>,
    }
    %scan3A_47 = arith.constant 128 : i32
    %dma_start3A_48 = arith.constant 2 : i32
    %dma_start3A_49 = arith.constant 0 : i32
    %dma_start3A_50 = arith.constant 0 : i32
    %dma_start3A_51 = arith.constant 0 : i32
    %dma_start3A_52 = tpu.memref_slice %arg6[%dma_start3A_49, %dma_start3A_50, %dma_start3A_51] : memref<2x128x64xf32, #tpu.memory_space<vmem>> -> memref<1x128x64xf32, #tpu.memory_space<vmem>>
    %dma_start3A_53 = tpu.memref_squeeze %dma_start3A_52 : memref<1x128x64xf32, #tpu.memory_space<vmem>> -> memref<128x64xf32, #tpu.memory_space<vmem>>
    %dma_start3A_54 = arith.constant 0 : i32
    %dma_start3A_55 = tpu.memref_slice %arg5[%dma_start3A_48, %dma_start3A_54] : memref<50x128xi32, #tpu.memory_space<vmem>> -> memref<1x128xi32, #tpu.memory_space<vmem>>
    %dma_start3A_56 = tpu.memref_squeeze %dma_start3A_55 : memref<1x128xi32, #tpu.memory_space<vmem>> -> memref<128xi32, #tpu.memory_space<vmem>>
    %dma_start3A_57 = arith.constant 0 : i32
    %dma_start3A_58 = arith.constant 0 : i32
    %dma_start3A_59 = tpu.memref_slice %arg3[%dma_start3A_57, %dma_start3A_58] : memref<2000000x64xf32, #tpu.memory_space<hbm>> -> memref<2000000x64xf32, #tpu.memory_space<hbm>>
    tpu.enqueue_indirect_dma source(%dma_start3A_59 : memref<2000000x64xf32, #tpu.memory_space<hbm>>) target(%dma_start3A_53 : memref<128x64xf32, #tpu.memory_space<vmem>>) offsets(%dma_start3A_56 : memref<128xi32, #tpu.memory_space<vmem>>) semaphore(%arg8 : memref<!tpu.dma_semaphore, #tpu.memory_space<semaphore_mem>>)
    %add3A_60 = arith.constant 0 : i32
    %add3A_61 = arith.addi %add3A_60, %mul3A_2 : i32
    %dma_start3A_62 = arith.constant 0 : i32
    %dma_start3A_63 = arith.constant 0 : i32
    %dma_start3A_64 = arith.constant 0 : i32
    %dma_start3A_65 = tpu.memref_slice %arg7[%dma_start3A_62, %dma_start3A_63, %dma_start3A_64] : memref<2x128x64xf32, #tpu.memory_space<vmem>> -> memref<1x128x64xf32, #tpu.memory_space<vmem>>
    %dma_start3A_66 = tpu.memref_squeeze %dma_start3A_65 : memref<1x128x64xf32, #tpu.memory_space<vmem>> -> memref<128x64xf32, #tpu.memory_space<vmem>>
    %dma_start3A_67 = arith.constant 0 : i32
    %dma_start3A_68 = tpu.memref_slice %arg4[%add3A_61, %dma_start3A_67] : memref<204800x64xf32, #tpu.memory_space<hbm>> -> memref<128x64xf32, #tpu.memory_space<hbm>>
    %dma_start3A_69 = arith.constant 0 : i32
    %dma_start3A_70 = tpu.memref_slice %arg4[%add3A_61, %dma_start3A_69] : memref<204800x64xf32, #tpu.memory_space<hbm>> -> memref<128x64xf32, #tpu.memory_space<hbm>>
    %dma_start3A_71 = arith.constant 0 : i32
    %dma_start3A_72 = arith.constant 0 : i32
    %dma_start3A_73 = tpu.memref_slice %arg7[%dma_start3A_62, %dma_start3A_71, %dma_start3A_72] : memref<2x128x64xf32, #tpu.memory_space<vmem>> -> memref<1x128x64xf32, #tpu.memory_space<vmem>>
    %dma_start3A_74 = tpu.memref_squeeze %dma_start3A_73 : memref<1x128x64xf32, #tpu.memory_space<vmem>> -> memref<128x64xf32, #tpu.memory_space<vmem>>
    tpu.enqueue_dma source(%dma_start3A_74 : memref<128x64xf32, #tpu.memory_space<vmem>>) target(%dma_start3A_70 : memref<128x64xf32, #tpu.memory_space<hbm>>) target_semaphore(%arg10 : memref<!tpu.dma_semaphore, #tpu.memory_space<semaphore_mem>>)
    %dma_wait3A_75 = arith.constant 0 : i32
    %dma_wait3A_76 = arith.constant 1 : i32
    %dma_wait3A_77 = arith.constant 0 : i32
    %dma_wait3A_78 = arith.constant 0 : i32
    %dma_wait3A_79 = tpu.memref_slice %arg6[%dma_wait3A_76, %dma_wait3A_77, %dma_wait3A_78] : memref<2x128x64xf32, #tpu.memory_space<vmem>> -> memref<1x128x64xf32, #tpu.memory_space<vmem>>
    %dma_wait3A_80 = tpu.memref_squeeze %dma_wait3A_79 : memref<1x128x64xf32, #tpu.memory_space<vmem>> -> memref<128x64xf32, #tpu.memory_space<vmem>>
    %dma_wait3A_81 = arith.constant 0 : i32
    %dma_wait3A_82 = tpu.memref_slice %arg5[%dma_wait3A_75, %dma_wait3A_81] : memref<50x128xi32, #tpu.memory_space<vmem>> -> memref<1x128xi32, #tpu.memory_space<vmem>>
    %dma_wait3A_83 = tpu.memref_squeeze %dma_wait3A_82 : memref<1x128xi32, #tpu.memory_space<vmem>> -> memref<128xi32, #tpu.memory_space<vmem>>
    %dma_wait3A_84 = arith.constant 0 : i32
    %dma_wait3A_85 = arith.constant 0 : i32
    %dma_wait3A_86 = tpu.memref_slice %arg3[%dma_wait3A_84, %dma_wait3A_85] : memref<2000000x64xf32, #tpu.memory_space<hbm>> -> memref<2000000x64xf32, #tpu.memory_space<hbm>>
    tpu.wait_indirect_dma semaphore(%arg9 : memref<!tpu.dma_semaphore, #tpu.memory_space<semaphore_mem>>) src(%dma_wait3A_86 : memref<2000000x64xf32, #tpu.memory_space<hbm>>) dst(%dma_wait3A_80 : memref<128x64xf32, #tpu.memory_space<vmem>>)
    %scan3A_87 = arith.constant 0 : i32
    %scan3A_88 = arith.constant 0 : i32
    %scan3A_89 = arith.constant 128 : i32
    %scan3A_90 = arith.addi %scan3A_88, %scan3A_89 : i32
    %scan3A_91 = arith.constant 1 : i32
    scf.for %scan3A_252 = %scan3A_88 to %scan3A_90 step %scan3A_91  : i32 {
      %get3A = arith.constant 1 : i32
      %get3A_253 = arith.index_cast %get3A : i32 to index
      %get3A_254 = arith.index_cast %scan3A_252 : i32 to index
      %get3A_255 = arith.constant 0 : index
      %get3A_256 = tpu.vector_load %arg6[%get3A_253, %get3A_254, %get3A_255] {strides = array<i32>} : memref<2x128x64xf32, #tpu.memory_space<vmem>>, vector<1x1x16xf32>,
      %get3A_257 = vector.shape_cast %get3A_256 : vector<1x1x16xf32> to vector<16xf32>
      %mul3A_258 = arith.constant 8.000000e+00 : f32
      %mul3A_259 = vector.broadcast %mul3A_258 : f32 to vector<16xf32>
      %mul3A_260 = arith.mulf %get3A_257, %mul3A_259 : vector<16xf32>
      %swap3A = arith.constant 1 : i32
      %swap3A_261 = arith.index_cast %swap3A : i32 to index
      %swap3A_262 = arith.index_cast %scan3A_252 : i32 to index
      %swap3A_263 = arith.constant 0 : index
      %swap3A_264 = tpu.vector_load %arg7[%swap3A_261, %swap3A_262, %swap3A_263] {strides = array<i32>} : memref<2x128x64xf32, #tpu.memory_space<vmem>>, vector<1x1x16xf32>,
      %swap3A_265 = vector.shape_cast %swap3A_264 : vector<1x1x16xf32> to vector<16xf32>
      %swap3A_266 = vector.shape_cast %mul3A_260 : vector<16xf32> to vector<1x1x16xf32>
      tpu.vector_store %arg7[%swap3A_261, %swap3A_262, %swap3A_263], %swap3A_266 {strides = array<i32>} : memref<2x128x64xf32, #tpu.memory_space<vmem>>, vector<1x1x16xf32>,
      %get3A_267 = arith.constant 1 : i32
      %get3A_268 = arith.index_cast %get3A_267 : i32 to index
      %get3A_269 = arith.index_cast %scan3A_252 : i32 to index
      %get3A_270 = arith.constant 16 : index
      %get3A_271 = tpu.vector_load %arg6[%get3A_268, %get3A_269, %get3A_270] {strides = array<i32>} : memref<2x128x64xf32, #tpu.memory_space<vmem>>, vector<1x1x16xf32>,
      %get3A_272 = vector.shape_cast %get3A_271 : vector<1x1x16xf32> to vector<16xf32>
      %mul3A_273 = arith.constant 8.000000e+00 : f32
      %mul3A_274 = vector.broadcast %mul3A_273 : f32 to vector<16xf32>
      %mul3A_275 = arith.mulf %get3A_272, %mul3A_274 : vector<16xf32>
      %swap3A_276 = arith.constant 1 : i32
      %swap3A_277 = arith.index_cast %swap3A_276 : i32 to index
      %swap3A_278 = arith.index_cast %scan3A_252 : i32 to index
      %swap3A_279 = arith.constant 16 : index
      %swap3A_280 = tpu.vector_load %arg7[%swap3A_277, %swap3A_278, %swap3A_279] {strides = array<i32>} : memref<2x128x64xf32, #tpu.memory_space<vmem>>, vector<1x1x16xf32>,
      %swap3A_281 = vector.shape_cast %swap3A_280 : vector<1x1x16xf32> to vector<16xf32>
      %swap3A_282 = vector.shape_cast %mul3A_275 : vector<16xf32> to vector<1x1x16xf32>
      tpu.vector_store %arg7[%swap3A_277, %swap3A_278, %swap3A_279], %swap3A_282 {strides = array<i32>} : memref<2x128x64xf32, #tpu.memory_space<vmem>>, vector<1x1x16xf32>,
      %get3A_283 = arith.constant 1 : i32
      %get3A_284 = arith.index_cast %get3A_283 : i32 to index
      %get3A_285 = arith.index_cast %scan3A_252 : i32 to index
      %get3A_286 = arith.constant 32 : index
      %get3A_287 = tpu.vector_load %arg6[%get3A_284, %get3A_285, %get3A_286] {strides = array<i32>} : memref<2x128x64xf32, #tpu.memory_space<vmem>>, vector<1x1x16xf32>,
      %get3A_288 = vector.shape_cast %get3A_287 : vector<1x1x16xf32> to vector<16xf32>
      %mul3A_289 = arith.constant 8.000000e+00 : f32
      %mul3A_290 = vector.broadcast %mul3A_289 : f32 to vector<16xf32>
      %mul3A_291 = arith.mulf %get3A_288, %mul3A_290 : vector<16xf32>
      %swap3A_292 = arith.constant 1 : i32
      %swap3A_293 = arith.index_cast %swap3A_292 : i32 to index
      %swap3A_294 = arith.index_cast %scan3A_252 : i32 to index
      %swap3A_295 = arith.constant 32 : index
      %swap3A_296 = tpu.vector_load %arg7[%swap3A_293, %swap3A_294, %swap3A_295] {strides = array<i32>} : memref<2x128x64xf32, #tpu.memory_space<vmem>>, vector<1x1x16xf32>,
      %swap3A_297 = vector.shape_cast %swap3A_296 : vector<1x1x16xf32> to vector<16xf32>
      %swap3A_298 = vector.shape_cast %mul3A_291 : vector<16xf32> to vector<1x1x16xf32>
      tpu.vector_store %arg7[%swap3A_293, %swap3A_294, %swap3A_295], %swap3A_298 {strides = array<i32>} : memref<2x128x64xf32, #tpu.memory_space<vmem>>, vector<1x1x16xf32>,
      %get3A_299 = arith.constant 1 : i32
      %get3A_300 = arith.index_cast %get3A_299 : i32 to index
      %get3A_301 = arith.index_cast %scan3A_252 : i32 to index
      %get3A_302 = arith.constant 48 : index
      %get3A_303 = tpu.vector_load %arg6[%get3A_300, %get3A_301, %get3A_302] {strides = array<i32>} : memref<2x128x64xf32, #tpu.memory_space<vmem>>, vector<1x1x16xf32>,
      %get3A_304 = vector.shape_cast %get3A_303 : vector<1x1x16xf32> to vector<16xf32>
      %mul3A_305 = arith.constant 8.000000e+00 : f32
      %mul3A_306 = vector.broadcast %mul3A_305 : f32 to vector<16xf32>
      %mul3A_307 = arith.mulf %get3A_304, %mul3A_306 : vector<16xf32>
      %swap3A_308 = arith.constant 1 : i32
      %swap3A_309 = arith.index_cast %swap3A_308 : i32 to index
      %swap3A_310 = arith.index_cast %scan3A_252 : i32 to index
      %swap3A_311 = arith.constant 48 : index
      %swap3A_312 = tpu.vector_load %arg7[%swap3A_309, %swap3A_310, %swap3A_311] {strides = array<i32>} : memref<2x128x64xf32, #tpu.memory_space<vmem>>, vector<1x1x16xf32>,
      %swap3A_313 = vector.shape_cast %swap3A_312 : vector<1x1x16xf32> to vector<16xf32>
      %swap3A_314 = vector.shape_cast %mul3A_307 : vector<16xf32> to vector<1x1x16xf32>
      tpu.vector_store %arg7[%swap3A_309, %swap3A_310, %swap3A_311], %swap3A_314 {strides = array<i32>} : memref<2x128x64xf32, #tpu.memory_space<vmem>>, vector<1x1x16xf32>,
    }
    %scan3A_92 = arith.constant 128 : i32
    %dma_start3A_93 = arith.constant 3 : i32
    %dma_start3A_94 = arith.constant 1 : i32
    %dma_start3A_95 = arith.constant 0 : i32
    %dma_start3A_96 = arith.constant 0 : i32
    %dma_start3A_97 = tpu.memref_slice %arg6[%dma_start3A_94, %dma_start3A_95, %dma_start3A_96] : memref<2x128x64xf32, #tpu.memory_space<vmem>> -> memref<1x128x64xf32, #tpu.memory_space<vmem>>
    %dma_start3A_98 = tpu.memref_squeeze %dma_start3A_97 : memref<1x128x64xf32, #tpu.memory_space<vmem>> -> memref<128x64xf32, #tpu.memory_space<vmem>>
    %dma_start3A_99 = arith.constant 0 : i32
    %dma_start3A_100 = tpu.memref_slice %arg5[%dma_start3A_93, %dma_start3A_99] : memref<50x128xi32, #tpu.memory_space<vmem>> -> memref<1x128xi32, #tpu.memory_space<vmem>>
    %dma_start3A_101 = tpu.memref_squeeze %dma_start3A_100 : memref<1x128xi32, #tpu.memory_space<vmem>> -> memref<128xi32, #tpu.memory_space<vmem>>
    %dma_start3A_102 = arith.constant 0 : i32
    %dma_start3A_103 = arith.constant 0 : i32
    %dma_start3A_104 = tpu.memref_slice %arg3[%dma_start3A_102, %dma_start3A_103] : memref<2000000x64xf32, #tpu.memory_space<hbm>> -> memref<2000000x64xf32, #tpu.memory_space<hbm>>
    tpu.enqueue_indirect_dma source(%dma_start3A_104 : memref<2000000x64xf32, #tpu.memory_space<hbm>>) target(%dma_start3A_98 : memref<128x64xf32, #tpu.memory_space<vmem>>) offsets(%dma_start3A_101 : memref<128xi32, #tpu.memory_space<vmem>>) semaphore(%arg9 : memref<!tpu.dma_semaphore, #tpu.memory_space<semaphore_mem>>)
    %add3A_105 = arith.constant 4096 : i32
    %add3A_106 = arith.addi %add3A_105, %mul3A_2 : i32
    %dma_start3A_107 = arith.constant 1 : i32
    %dma_start3A_108 = arith.constant 0 : i32
    %dma_start3A_109 = arith.constant 0 : i32
    %dma_start3A_110 = tpu.memref_slice %arg7[%dma_start3A_107, %dma_start3A_108, %dma_start3A_109] : memref<2x128x64xf32, #tpu.memory_space<vmem>> -> memref<1x128x64xf32, #tpu.memory_space<vmem>>
    %dma_start3A_111 = tpu.memref_squeeze %dma_start3A_110 : memref<1x128x64xf32, #tpu.memory_space<vmem>> -> memref<128x64xf32, #tpu.memory_space<vmem>>
    %dma_start3A_112 = arith.constant 0 : i32
    %dma_start3A_113 = tpu.memref_slice %arg4[%add3A_106, %dma_start3A_112] : memref<204800x64xf32, #tpu.memory_space<hbm>> -> memref<128x64xf32, #tpu.memory_space<hbm>>
    %dma_start3A_114 = arith.constant 0 : i32
    %dma_start3A_115 = tpu.memref_slice %arg4[%add3A_106, %dma_start3A_114] : memref<204800x64xf32, #tpu.memory_space<hbm>> -> memref<128x64xf32, #tpu.memory_space<hbm>>
    %dma_start3A_116 = arith.constant 0 : i32
    %dma_start3A_117 = arith.constant 0 : i32
    %dma_start3A_118 = tpu.memref_slice %arg7[%dma_start3A_107, %dma_start3A_116, %dma_start3A_117] : memref<2x128x64xf32, #tpu.memory_space<vmem>> -> memref<1x128x64xf32, #tpu.memory_space<vmem>>
    %dma_start3A_119 = tpu.memref_squeeze %dma_start3A_118 : memref<1x128x64xf32, #tpu.memory_space<vmem>> -> memref<128x64xf32, #tpu.memory_space<vmem>>
    tpu.enqueue_dma source(%dma_start3A_119 : memref<128x64xf32, #tpu.memory_space<vmem>>) target(%dma_start3A_115 : memref<128x64xf32, #tpu.memory_space<hbm>>) target_semaphore(%arg11 : memref<!tpu.dma_semaphore, #tpu.memory_space<semaphore_mem>>)
    %scan3A_120 = arith.constant 0 : i32
    %scan3A_121 = arith.constant 0 : i32
    %scan3A_122 = arith.constant 23 : i32
    %scan3A_123 = arith.addi %scan3A_121, %scan3A_122 : i32
    %scan3A_124 = arith.constant 1 : i32
    scf.for %scan3A_252 = %scan3A_121 to %scan3A_123 step %scan3A_124  : i32 {
      %mul3A_253 = arith.constant 2 : i32
      %mul3A_254 = arith.muli %scan3A_252, %mul3A_253 : i32
      %add3A_255 = arith.constant 2 : i32
      %add3A_256 = arith.addi %add3A_255, %mul3A_254 : i32
      %add3A_257 = arith.constant 0 : i32
      %add3A_258 = arith.addi %add3A_256, %add3A_257 : i32
      %dma_wait3A_259 = arith.constant 0 : i32
      %dma_wait3A_260 = arith.constant 0 : i32
      %dma_wait3A_261 = arith.constant 0 : i32
      %dma_wait3A_262 = arith.constant 0 : i32
      %dma_wait3A_263 = tpu.memref_slice %arg6[%dma_wait3A_260, %dma_wait3A_261, %dma_wait3A_262] : memref<2x128x64xf32, #tpu.memory_space<vmem>> -> memref<1x128x64xf32, #tpu.memory_space<vmem>>
      %dma_wait3A_264 = tpu.memref_squeeze %dma_wait3A_263 : memref<1x128x64xf32, #tpu.memory_space<vmem>> -> memref<128x64xf32, #tpu.memory_space<vmem>>
      %dma_wait3A_265 = arith.constant 0 : i32
      %dma_wait3A_266 = tpu.memref_slice %arg5[%dma_wait3A_259, %dma_wait3A_265] : memref<50x128xi32, #tpu.memory_space<vmem>> -> memref<1x128xi32, #tpu.memory_space<vmem>>
      %dma_wait3A_267 = tpu.memref_squeeze %dma_wait3A_266 : memref<1x128xi32, #tpu.memory_space<vmem>> -> memref<128xi32, #tpu.memory_space<vmem>>
      %dma_wait3A_268 = arith.constant 0 : i32
      %dma_wait3A_269 = arith.constant 0 : i32
      %dma_wait3A_270 = tpu.memref_slice %arg3[%dma_wait3A_268, %dma_wait3A_269] : memref<2000000x64xf32, #tpu.memory_space<hbm>> -> memref<2000000x64xf32, #tpu.memory_space<hbm>>
      tpu.wait_indirect_dma semaphore(%arg8 : memref<!tpu.dma_semaphore, #tpu.memory_space<semaphore_mem>>) src(%dma_wait3A_270 : memref<2000000x64xf32, #tpu.memory_space<hbm>>) dst(%dma_wait3A_264 : memref<128x64xf32, #tpu.memory_space<vmem>>)
      %dma_wait3A_271 = arith.constant 0 : i32
      %dma_wait3A_272 = arith.constant 0 : i32
      %dma_wait3A_273 = arith.constant 0 : i32
      %dma_wait3A_274 = tpu.memref_slice %arg7[%dma_wait3A_271, %dma_wait3A_272, %dma_wait3A_273] : memref<2x128x64xf32, #tpu.memory_space<vmem>> -> memref<1x128x64xf32, #tpu.memory_space<vmem>>
      %dma_wait3A_275 = tpu.memref_squeeze %dma_wait3A_274 : memref<1x128x64xf32, #tpu.memory_space<vmem>> -> memref<128x64xf32, #tpu.memory_space<vmem>>
      %dma_wait3A_276 = arith.constant 0 : i32
      %dma_wait3A_277 = arith.constant 0 : i32
      %dma_wait3A_278 = tpu.memref_slice %arg4[%dma_wait3A_276, %dma_wait3A_277] : memref<204800x64xf32, #tpu.memory_space<hbm>> -> memref<128x64xf32, #tpu.memory_space<hbm>>
      %dma_wait3A_279 = arith.constant 0 : i32
      %dma_wait3A_280 = arith.constant 0 : i32
      %dma_wait3A_281 = tpu.memref_slice %arg4[%dma_wait3A_279, %dma_wait3A_280] : memref<204800x64xf32, #tpu.memory_space<hbm>> -> memref<128x64xf32, #tpu.memory_space<hbm>>
      %dma_wait3A_282 = arith.constant 0 : i32
      %dma_wait3A_283 = arith.constant 0 : i32
      %dma_wait3A_284 = tpu.memref_slice %arg7[%dma_wait3A_271, %dma_wait3A_282, %dma_wait3A_283] : memref<2x128x64xf32, #tpu.memory_space<vmem>> -> memref<1x128x64xf32, #tpu.memory_space<vmem>>
      %dma_wait3A_285 = tpu.memref_squeeze %dma_wait3A_284 : memref<1x128x64xf32, #tpu.memory_space<vmem>> -> memref<128x64xf32, #tpu.memory_space<vmem>>
      tpu.wait_dma2 semaphore(%arg10 : memref<!tpu.dma_semaphore, #tpu.memory_space<semaphore_mem>>) src(%dma_wait3A_285 : memref<128x64xf32, #tpu.memory_space<vmem>>) dst(%dma_wait3A_281 : memref<128x64xf32, #tpu.memory_space<hbm>>)
      %scan3A_286 = arith.constant 0 : i32
      %scan3A_287 = arith.constant 0 : i32
      %scan3A_288 = arith.constant 128 : i32
      %scan3A_289 = arith.addi %scan3A_287, %scan3A_288 : i32
      %scan3A_290 = arith.constant 1 : i32
      scf.for %scan3A_385 = %scan3A_287 to %scan3A_289 step %scan3A_290  : i32 {
        %get3A = arith.constant 0 : i32
        %get3A_386 = arith.index_cast %get3A : i32 to index
        %get3A_387 = arith.index_cast %scan3A_385 : i32 to index
        %get3A_388 = arith.constant 0 : index
        %get3A_389 = tpu.vector_load %arg6[%get3A_386, %get3A_387, %get3A_388] {strides = array<i32>} : memref<2x128x64xf32, #tpu.memory_space<vmem>>, vector<1x1x16xf32>,
        %get3A_390 = vector.shape_cast %get3A_389 : vector<1x1x16xf32> to vector<16xf32>
        %mul3A_391 = arith.constant 8.000000e+00 : f32
        %mul3A_392 = vector.broadcast %mul3A_391 : f32 to vector<16xf32>
        %mul3A_393 = arith.mulf %get3A_390, %mul3A_392 : vector<16xf32>
        %swap3A = arith.constant 0 : i32
        %swap3A_394 = arith.index_cast %swap3A : i32 to index
        %swap3A_395 = arith.index_cast %scan3A_385 : i32 to index
        %swap3A_396 = arith.constant 0 : index
        %swap3A_397 = tpu.vector_load %arg7[%swap3A_394, %swap3A_395, %swap3A_396] {strides = array<i32>} : memref<2x128x64xf32, #tpu.memory_space<vmem>>, vector<1x1x16xf32>,
        %swap3A_398 = vector.shape_cast %swap3A_397 : vector<1x1x16xf32> to vector<16xf32>
        %swap3A_399 = vector.shape_cast %mul3A_393 : vector<16xf32> to vector<1x1x16xf32>
        tpu.vector_store %arg7[%swap3A_394, %swap3A_395, %swap3A_396], %swap3A_399 {strides = array<i32>} : memref<2x128x64xf32, #tpu.memory_space<vmem>>, vector<1x1x16xf32>,
        %get3A_400 = arith.constant 0 : i32
        %get3A_401 = arith.index_cast %get3A_400 : i32 to index
        %get3A_402 = arith.index_cast %scan3A_385 : i32 to index
        %get3A_403 = arith.constant 16 : index
        %get3A_404 = tpu.vector_load %arg6[%get3A_401, %get3A_402, %get3A_403] {strides = array<i32>} : memref<2x128x64xf32, #tpu.memory_space<vmem>>, vector<1x1x16xf32>,
        %get3A_405 = vector.shape_cast %get3A_404 : vector<1x1x16xf32> to vector<16xf32>
        %mul3A_406 = arith.constant 8.000000e+00 : f32
        %mul3A_407 = vector.broadcast %mul3A_406 : f32 to vector<16xf32>
        %mul3A_408 = arith.mulf %get3A_405, %mul3A_407 : vector<16xf32>
        %swap3A_409 = arith.constant 0 : i32
        %swap3A_410 = arith.index_cast %swap3A_409 : i32 to index
        %swap3A_411 = arith.index_cast %scan3A_385 : i32 to index
        %swap3A_412 = arith.constant 16 : index
        %swap3A_413 = tpu.vector_load %arg7[%swap3A_410, %swap3A_411, %swap3A_412] {strides = array<i32>} : memref<2x128x64xf32, #tpu.memory_space<vmem>>, vector<1x1x16xf32>,
        %swap3A_414 = vector.shape_cast %swap3A_413 : vector<1x1x16xf32> to vector<16xf32>
        %swap3A_415 = vector.shape_cast %mul3A_408 : vector<16xf32> to vector<1x1x16xf32>
        tpu.vector_store %arg7[%swap3A_410, %swap3A_411, %swap3A_412], %swap3A_415 {strides = array<i32>} : memref<2x128x64xf32, #tpu.memory_space<vmem>>, vector<1x1x16xf32>,
        %get3A_416 = arith.constant 0 : i32
        %get3A_417 = arith.index_cast %get3A_416 : i32 to index
        %get3A_418 = arith.index_cast %scan3A_385 : i32 to index
        %get3A_419 = arith.constant 32 : index
        %get3A_420 = tpu.vector_load %arg6[%get3A_417, %get3A_418, %get3A_419] {strides = array<i32>} : memref<2x128x64xf32, #tpu.memory_space<vmem>>, vector<1x1x16xf32>,
        %get3A_421 = vector.shape_cast %get3A_420 : vector<1x1x16xf32> to vector<16xf32>
        %mul3A_422 = arith.constant 8.000000e+00 : f32
        %mul3A_423 = vector.broadcast %mul3A_422 : f32 to vector<16xf32>
        %mul3A_424 = arith.mulf %get3A_421, %mul3A_423 : vector<16xf32>
        %swap3A_425 = arith.constant 0 : i32
        %swap3A_426 = arith.index_cast %swap3A_425 : i32 to index
        %swap3A_427 = arith.index_cast %scan3A_385 : i32 to index
        %swap3A_428 = arith.constant 32 : index
        %swap3A_429 = tpu.vector_load %arg7[%swap3A_426, %swap3A_427, %swap3A_428] {strides = array<i32>} : memref<2x128x64xf32, #tpu.memory_space<vmem>>, vector<1x1x16xf32>,
        %swap3A_430 = vector.shape_cast %swap3A_429 : vector<1x1x16xf32> to vector<16xf32>
        %swap3A_431 = vector.shape_cast %mul3A_424 : vector<16xf32> to vector<1x1x16xf32>
        tpu.vector_store %arg7[%swap3A_426, %swap3A_427, %swap3A_428], %swap3A_431 {strides = array<i32>} : memref<2x128x64xf32, #tpu.memory_space<vmem>>, vector<1x1x16xf32>,
        %get3A_432 = arith.constant 0 : i32
        %get3A_433 = arith.index_cast %get3A_432 : i32 to index
        %get3A_434 = arith.index_cast %scan3A_385 : i32 to index
        %get3A_435 = arith.constant 48 : index
        %get3A_436 = tpu.vector_load %arg6[%get3A_433, %get3A_434, %get3A_435] {strides = array<i32>} : memref<2x128x64xf32, #tpu.memory_space<vmem>>, vector<1x1x16xf32>,
        %get3A_437 = vector.shape_cast %get3A_436 : vector<1x1x16xf32> to vector<16xf32>
        %mul3A_438 = arith.constant 8.000000e+00 : f32
        %mul3A_439 = vector.broadcast %mul3A_438 : f32 to vector<16xf32>
        %mul3A_440 = arith.mulf %get3A_437, %mul3A_439 : vector<16xf32>
        %swap3A_441 = arith.constant 0 : i32
        %swap3A_442 = arith.index_cast %swap3A_441 : i32 to index
        %swap3A_443 = arith.index_cast %scan3A_385 : i32 to index
        %swap3A_444 = arith.constant 48 : index
        %swap3A_445 = tpu.vector_load %arg7[%swap3A_442, %swap3A_443, %swap3A_444] {strides = array<i32>} : memref<2x128x64xf32, #tpu.memory_space<vmem>>, vector<1x1x16xf32>,
        %swap3A_446 = vector.shape_cast %swap3A_445 : vector<1x1x16xf32> to vector<16xf32>
        %swap3A_447 = vector.shape_cast %mul3A_440 : vector<16xf32> to vector<1x1x16xf32>
        tpu.vector_store %arg7[%swap3A_442, %swap3A_443, %swap3A_444], %swap3A_447 {strides = array<i32>} : memref<2x128x64xf32, #tpu.memory_space<vmem>>, vector<1x1x16xf32>,
      }
      %scan3A_291 = arith.constant 128 : i32
      %add3A_292 = arith.constant 2 : i32
      %add3A_293 = arith.addi %add3A_258, %add3A_292 : i32
      %dma_start3A_294 = arith.constant 0 : i32
      %dma_start3A_295 = arith.constant 0 : i32
      %dma_start3A_296 = arith.constant 0 : i32
      %dma_start3A_297 = tpu.memref_slice %arg6[%dma_start3A_294, %dma_start3A_295, %dma_start3A_296] : memref<2x128x64xf32, #tpu.memory_space<vmem>> -> memref<1x128x64xf32, #tpu.memory_space<vmem>>
      %dma_start3A_298 = tpu.memref_squeeze %dma_start3A_297 : memref<1x128x64xf32, #tpu.memory_space<vmem>> -> memref<128x64xf32, #tpu.memory_space<vmem>>
      %dma_start3A_299 = arith.constant 0 : i32
      %dma_start3A_300 = tpu.memref_slice %arg5[%add3A_293, %dma_start3A_299] : memref<50x128xi32, #tpu.memory_space<vmem>> -> memref<1x128xi32, #tpu.memory_space<vmem>>
      %dma_start3A_301 = tpu.memref_squeeze %dma_start3A_300 : memref<1x128xi32, #tpu.memory_space<vmem>> -> memref<128xi32, #tpu.memory_space<vmem>>
      %dma_start3A_302 = arith.constant 0 : i32
      %dma_start3A_303 = arith.constant 0 : i32
      %dma_start3A_304 = tpu.memref_slice %arg3[%dma_start3A_302, %dma_start3A_303] : memref<2000000x64xf32, #tpu.memory_space<hbm>> -> memref<2000000x64xf32, #tpu.memory_space<hbm>>
      tpu.enqueue_indirect_dma source(%dma_start3A_304 : memref<2000000x64xf32, #tpu.memory_space<hbm>>) target(%dma_start3A_298 : memref<128x64xf32, #tpu.memory_space<vmem>>) offsets(%dma_start3A_301 : memref<128xi32, #tpu.memory_space<vmem>>) semaphore(%arg8 : memref<!tpu.dma_semaphore, #tpu.memory_space<semaphore_mem>>)
      %mul3A_305 = arith.constant 4096 : i32
      %mul3A_306 = arith.muli %add3A_258, %mul3A_305 : i32
      %add3A_307 = arith.addi %mul3A_306, %mul3A_2 : i32
      %dma_start3A_308 = arith.constant 0 : i32
      %dma_start3A_309 = arith.constant 0 : i32
      %dma_start3A_310 = arith.constant 0 : i32
      %dma_start3A_311 = tpu.memref_slice %arg7[%dma_start3A_308, %dma_start3A_309, %dma_start3A_310] : memref<2x128x64xf32, #tpu.memory_space<vmem>> -> memref<1x128x64xf32, #tpu.memory_space<vmem>>
      %dma_start3A_312 = tpu.memref_squeeze %dma_start3A_311 : memref<1x128x64xf32, #tpu.memory_space<vmem>> -> memref<128x64xf32, #tpu.memory_space<vmem>>
      %dma_start3A_313 = arith.constant 0 : i32
      %dma_start3A_314 = tpu.memref_slice %arg4[%add3A_307, %dma_start3A_313] : memref<204800x64xf32, #tpu.memory_space<hbm>> -> memref<128x64xf32, #tpu.memory_space<hbm>>
      %dma_start3A_315 = arith.constant 0 : i32
      %dma_start3A_316 = tpu.memref_slice %arg4[%add3A_307, %dma_start3A_315] : memref<204800x64xf32, #tpu.memory_space<hbm>> -> memref<128x64xf32, #tpu.memory_space<hbm>>
      %dma_start3A_317 = arith.constant 0 : i32
      %dma_start3A_318 = arith.constant 0 : i32
      %dma_start3A_319 = tpu.memref_slice %arg7[%dma_start3A_308, %dma_start3A_317, %dma_start3A_318] : memref<2x128x64xf32, #tpu.memory_space<vmem>> -> memref<1x128x64xf32, #tpu.memory_space<vmem>>
      %dma_start3A_320 = tpu.memref_squeeze %dma_start3A_319 : memref<1x128x64xf32, #tpu.memory_space<vmem>> -> memref<128x64xf32, #tpu.memory_space<vmem>>
      tpu.enqueue_dma source(%dma_start3A_320 : memref<128x64xf32, #tpu.memory_space<vmem>>) target(%dma_start3A_316 : memref<128x64xf32, #tpu.memory_space<hbm>>) target_semaphore(%arg10 : memref<!tpu.dma_semaphore, #tpu.memory_space<semaphore_mem>>)
      %add3A_321 = arith.constant 1 : i32
      %add3A_322 = arith.addi %add3A_256, %add3A_321 : i32
      %dma_wait3A_323 = arith.constant 0 : i32
      %dma_wait3A_324 = arith.constant 1 : i32
      %dma_wait3A_325 = arith.constant 0 : i32
      %dma_wait3A_326 = arith.constant 0 : i32
      %dma_wait3A_327 = tpu.memref_slice %arg6[%dma_wait3A_324, %dma_wait3A_325, %dma_wait3A_326] : memref<2x128x64xf32, #tpu.memory_space<vmem>> -> memref<1x128x64xf32, #tpu.memory_space<vmem>>
      %dma_wait3A_328 = tpu.memref_squeeze %dma_wait3A_327 : memref<1x128x64xf32, #tpu.memory_space<vmem>> -> memref<128x64xf32, #tpu.memory_space<vmem>>
      %dma_wait3A_329 = arith.constant 0 : i32
      %dma_wait3A_330 = tpu.memref_slice %arg5[%dma_wait3A_323, %dma_wait3A_329] : memref<50x128xi32, #tpu.memory_space<vmem>> -> memref<1x128xi32, #tpu.memory_space<vmem>>
      %dma_wait3A_331 = tpu.memref_squeeze %dma_wait3A_330 : memref<1x128xi32, #tpu.memory_space<vmem>> -> memref<128xi32, #tpu.memory_space<vmem>>
      %dma_wait3A_332 = arith.constant 0 : i32
      %dma_wait3A_333 = arith.constant 0 : i32
      %dma_wait3A_334 = tpu.memref_slice %arg3[%dma_wait3A_332, %dma_wait3A_333] : memref<2000000x64xf32, #tpu.memory_space<hbm>> -> memref<2000000x64xf32, #tpu.memory_space<hbm>>
      tpu.wait_indirect_dma semaphore(%arg9 : memref<!tpu.dma_semaphore, #tpu.memory_space<semaphore_mem>>) src(%dma_wait3A_334 : memref<2000000x64xf32, #tpu.memory_space<hbm>>) dst(%dma_wait3A_328 : memref<128x64xf32, #tpu.memory_space<vmem>>)
      %dma_wait3A_335 = arith.constant 1 : i32
      %dma_wait3A_336 = arith.constant 0 : i32
      %dma_wait3A_337 = arith.constant 0 : i32
      %dma_wait3A_338 = tpu.memref_slice %arg7[%dma_wait3A_335, %dma_wait3A_336, %dma_wait3A_337] : memref<2x128x64xf32, #tpu.memory_space<vmem>> -> memref<1x128x64xf32, #tpu.memory_space<vmem>>
      %dma_wait3A_339 = tpu.memref_squeeze %dma_wait3A_338 : memref<1x128x64xf32, #tpu.memory_space<vmem>> -> memref<128x64xf32, #tpu.memory_space<vmem>>
      %dma_wait3A_340 = arith.constant 0 : i32
      %dma_wait3A_341 = arith.constant 0 : i32
      %dma_wait3A_342 = tpu.memref_slice %arg4[%dma_wait3A_340, %dma_wait3A_341] : memref<204800x64xf32, #tpu.memory_space<hbm>> -> memref<128x64xf32, #tpu.memory_space<hbm>>
      %dma_wait3A_343 = arith.constant 0 : i32
      %dma_wait3A_344 = arith.constant 0 : i32
      %dma_wait3A_345 = tpu.memref_slice %arg4[%dma_wait3A_343, %dma_wait3A_344] : memref<204800x64xf32, #tpu.memory_space<hbm>> -> memref<128x64xf32, #tpu.memory_space<hbm>>
      %dma_wait3A_346 = arith.constant 0 : i32
      %dma_wait3A_347 = arith.constant 0 : i32
      %dma_wait3A_348 = tpu.memref_slice %arg7[%dma_wait3A_335, %dma_wait3A_346, %dma_wait3A_347] : memref<2x128x64xf32, #tpu.memory_space<vmem>> -> memref<1x128x64xf32, #tpu.memory_space<vmem>>
      %dma_wait3A_349 = tpu.memref_squeeze %dma_wait3A_348 : memref<1x128x64xf32, #tpu.memory_space<vmem>> -> memref<128x64xf32, #tpu.memory_space<vmem>>
      tpu.wait_dma2 semaphore(%arg11 : memref<!tpu.dma_semaphore, #tpu.memory_space<semaphore_mem>>) src(%dma_wait3A_349 : memref<128x64xf32, #tpu.memory_space<vmem>>) dst(%dma_wait3A_345 : memref<128x64xf32, #tpu.memory_space<hbm>>)
      %scan3A_350 = arith.constant 0 : i32
      %scan3A_351 = arith.constant 0 : i32
      %scan3A_352 = arith.constant 128 : i32
      %scan3A_353 = arith.addi %scan3A_351, %scan3A_352 : i32
      %scan3A_354 = arith.constant 1 : i32
      scf.for %scan3A_385 = %scan3A_351 to %scan3A_353 step %scan3A_354  : i32 {
        %get3A = arith.constant 1 : i32
        %get3A_386 = arith.index_cast %get3A : i32 to index
        %get3A_387 = arith.index_cast %scan3A_385 : i32 to index
        %get3A_388 = arith.constant 0 : index
        %get3A_389 = tpu.vector_load %arg6[%get3A_386, %get3A_387, %get3A_388] {strides = array<i32>} : memref<2x128x64xf32, #tpu.memory_space<vmem>>, vector<1x1x16xf32>,
        %get3A_390 = vector.shape_cast %get3A_389 : vector<1x1x16xf32> to vector<16xf32>
        %mul3A_391 = arith.constant 8.000000e+00 : f32
        %mul3A_392 = vector.broadcast %mul3A_391 : f32 to vector<16xf32>
        %mul3A_393 = arith.mulf %get3A_390, %mul3A_392 : vector<16xf32>
        %swap3A = arith.constant 1 : i32
        %swap3A_394 = arith.index_cast %swap3A : i32 to index
        %swap3A_395 = arith.index_cast %scan3A_385 : i32 to index
        %swap3A_396 = arith.constant 0 : index
        %swap3A_397 = tpu.vector_load %arg7[%swap3A_394, %swap3A_395, %swap3A_396] {strides = array<i32>} : memref<2x128x64xf32, #tpu.memory_space<vmem>>, vector<1x1x16xf32>,
        %swap3A_398 = vector.shape_cast %swap3A_397 : vector<1x1x16xf32> to vector<16xf32>
        %swap3A_399 = vector.shape_cast %mul3A_393 : vector<16xf32> to vector<1x1x16xf32>
        tpu.vector_store %arg7[%swap3A_394, %swap3A_395, %swap3A_396], %swap3A_399 {strides = array<i32>} : memref<2x128x64xf32, #tpu.memory_space<vmem>>, vector<1x1x16xf32>,
        %get3A_400 = arith.constant 1 : i32
        %get3A_401 = arith.index_cast %get3A_400 : i32 to index
        %get3A_402 = arith.index_cast %scan3A_385 : i32 to index
        %get3A_403 = arith.constant 16 : index
        %get3A_404 = tpu.vector_load %arg6[%get3A_401, %get3A_402, %get3A_403] {strides = array<i32>} : memref<2x128x64xf32, #tpu.memory_space<vmem>>, vector<1x1x16xf32>,
        %get3A_405 = vector.shape_cast %get3A_404 : vector<1x1x16xf32> to vector<16xf32>
        %mul3A_406 = arith.constant 8.000000e+00 : f32
        %mul3A_407 = vector.broadcast %mul3A_406 : f32 to vector<16xf32>
        %mul3A_408 = arith.mulf %get3A_405, %mul3A_407 : vector<16xf32>
        %swap3A_409 = arith.constant 1 : i32
        %swap3A_410 = arith.index_cast %swap3A_409 : i32 to index
        %swap3A_411 = arith.index_cast %scan3A_385 : i32 to index
        %swap3A_412 = arith.constant 16 : index
        %swap3A_413 = tpu.vector_load %arg7[%swap3A_410, %swap3A_411, %swap3A_412] {strides = array<i32>} : memref<2x128x64xf32, #tpu.memory_space<vmem>>, vector<1x1x16xf32>,
        %swap3A_414 = vector.shape_cast %swap3A_413 : vector<1x1x16xf32> to vector<16xf32>
        %swap3A_415 = vector.shape_cast %mul3A_408 : vector<16xf32> to vector<1x1x16xf32>
        tpu.vector_store %arg7[%swap3A_410, %swap3A_411, %swap3A_412], %swap3A_415 {strides = array<i32>} : memref<2x128x64xf32, #tpu.memory_space<vmem>>, vector<1x1x16xf32>,
        %get3A_416 = arith.constant 1 : i32
        %get3A_417 = arith.index_cast %get3A_416 : i32 to index
        %get3A_418 = arith.index_cast %scan3A_385 : i32 to index
        %get3A_419 = arith.constant 32 : index
        %get3A_420 = tpu.vector_load %arg6[%get3A_417, %get3A_418, %get3A_419] {strides = array<i32>} : memref<2x128x64xf32, #tpu.memory_space<vmem>>, vector<1x1x16xf32>,
        %get3A_421 = vector.shape_cast %get3A_420 : vector<1x1x16xf32> to vector<16xf32>
        %mul3A_422 = arith.constant 8.000000e+00 : f32
        %mul3A_423 = vector.broadcast %mul3A_422 : f32 to vector<16xf32>
        %mul3A_424 = arith.mulf %get3A_421, %mul3A_423 : vector<16xf32>
        %swap3A_425 = arith.constant 1 : i32
        %swap3A_426 = arith.index_cast %swap3A_425 : i32 to index
        %swap3A_427 = arith.index_cast %scan3A_385 : i32 to index
        %swap3A_428 = arith.constant 32 : index
        %swap3A_429 = tpu.vector_load %arg7[%swap3A_426, %swap3A_427, %swap3A_428] {strides = array<i32>} : memref<2x128x64xf32, #tpu.memory_space<vmem>>, vector<1x1x16xf32>,
        %swap3A_430 = vector.shape_cast %swap3A_429 : vector<1x1x16xf32> to vector<16xf32>
        %swap3A_431 = vector.shape_cast %mul3A_424 : vector<16xf32> to vector<1x1x16xf32>
        tpu.vector_store %arg7[%swap3A_426, %swap3A_427, %swap3A_428], %swap3A_431 {strides = array<i32>} : memref<2x128x64xf32, #tpu.memory_space<vmem>>, vector<1x1x16xf32>,
        %get3A_432 = arith.constant 1 : i32
        %get3A_433 = arith.index_cast %get3A_432 : i32 to index
        %get3A_434 = arith.index_cast %scan3A_385 : i32 to index
        %get3A_435 = arith.constant 48 : index
        %get3A_436 = tpu.vector_load %arg6[%get3A_433, %get3A_434, %get3A_435] {strides = array<i32>} : memref<2x128x64xf32, #tpu.memory_space<vmem>>, vector<1x1x16xf32>,
        %get3A_437 = vector.shape_cast %get3A_436 : vector<1x1x16xf32> to vector<16xf32>
        %mul3A_438 = arith.constant 8.000000e+00 : f32
        %mul3A_439 = vector.broadcast %mul3A_438 : f32 to vector<16xf32>
        %mul3A_440 = arith.mulf %get3A_437, %mul3A_439 : vector<16xf32>
        %swap3A_441 = arith.constant 1 : i32
        %swap3A_442 = arith.index_cast %swap3A_441 : i32 to index
        %swap3A_443 = arith.index_cast %scan3A_385 : i32 to index
        %swap3A_444 = arith.constant 48 : index
        %swap3A_445 = tpu.vector_load %arg7[%swap3A_442, %swap3A_443, %swap3A_444] {strides = array<i32>} : memref<2x128x64xf32, #tpu.memory_space<vmem>>, vector<1x1x16xf32>,
        %swap3A_446 = vector.shape_cast %swap3A_445 : vector<1x1x16xf32> to vector<16xf32>
        %swap3A_447 = vector.shape_cast %mul3A_440 : vector<16xf32> to vector<1x1x16xf32>
        tpu.vector_store %arg7[%swap3A_442, %swap3A_443, %swap3A_444], %swap3A_447 {strides = array<i32>} : memref<2x128x64xf32, #tpu.memory_space<vmem>>, vector<1x1x16xf32>,
      }
      %scan3A_355 = arith.constant 128 : i32
      %add3A_356 = arith.constant 2 : i32
      %add3A_357 = arith.addi %add3A_322, %add3A_356 : i32
      %dma_start3A_358 = arith.constant 1 : i32
      %dma_start3A_359 = arith.constant 0 : i32
      %dma_start3A_360 = arith.constant 0 : i32
      %dma_start3A_361 = tpu.memref_slice %arg6[%dma_start3A_358, %dma_start3A_359, %dma_start3A_360] : memref<2x128x64xf32, #tpu.memory_space<vmem>> -> memref<1x128x64xf32, #tpu.memory_space<vmem>>
      %dma_start3A_362 = tpu.memref_squeeze %dma_start3A_361 : memref<1x128x64xf32, #tpu.memory_space<vmem>> -> memref<128x64xf32, #tpu.memory_space<vmem>>
      %dma_start3A_363 = arith.constant 0 : i32
      %dma_start3A_364 = tpu.memref_slice %arg5[%add3A_357, %dma_start3A_363] : memref<50x128xi32, #tpu.memory_space<vmem>> -> memref<1x128xi32, #tpu.memory_space<vmem>>
      %dma_start3A_365 = tpu.memref_squeeze %dma_start3A_364 : memref<1x128xi32, #tpu.memory_space<vmem>> -> memref<128xi32, #tpu.memory_space<vmem>>
      %dma_start3A_366 = arith.constant 0 : i32
      %dma_start3A_367 = arith.constant 0 : i32
      %dma_start3A_368 = tpu.memref_slice %arg3[%dma_start3A_366, %dma_start3A_367] : memref<2000000x64xf32, #tpu.memory_space<hbm>> -> memref<2000000x64xf32, #tpu.memory_space<hbm>>
      tpu.enqueue_indirect_dma source(%dma_start3A_368 : memref<2000000x64xf32, #tpu.memory_space<hbm>>) target(%dma_start3A_362 : memref<128x64xf32, #tpu.memory_space<vmem>>) offsets(%dma_start3A_365 : memref<128xi32, #tpu.memory_space<vmem>>) semaphore(%arg9 : memref<!tpu.dma_semaphore, #tpu.memory_space<semaphore_mem>>)
      %mul3A_369 = arith.constant 4096 : i32
      %mul3A_370 = arith.muli %add3A_322, %mul3A_369 : i32
      %add3A_371 = arith.addi %mul3A_370, %mul3A_2 : i32
      %dma_start3A_372 = arith.constant 1 : i32
      %dma_start3A_373 = arith.constant 0 : i32
      %dma_start3A_374 = arith.constant 0 : i32
      %dma_start3A_375 = tpu.memref_slice %arg7[%dma_start3A_372, %dma_start3A_373, %dma_start3A_374] : memref<2x128x64xf32, #tpu.memory_space<vmem>> -> memref<1x128x64xf32, #tpu.memory_space<vmem>>
      %dma_start3A_376 = tpu.memref_squeeze %dma_start3A_375 : memref<1x128x64xf32, #tpu.memory_space<vmem>> -> memref<128x64xf32, #tpu.memory_space<vmem>>
      %dma_start3A_377 = arith.constant 0 : i32
      %dma_start3A_378 = tpu.memref_slice %arg4[%add3A_371, %dma_start3A_377] : memref<204800x64xf32, #tpu.memory_space<hbm>> -> memref<128x64xf32, #tpu.memory_space<hbm>>
      %dma_start3A_379 = arith.constant 0 : i32
      %dma_start3A_380 = tpu.memref_slice %arg4[%add3A_371, %dma_start3A_379] : memref<204800x64xf32, #tpu.memory_space<hbm>> -> memref<128x64xf32, #tpu.memory_space<hbm>>
      %dma_start3A_381 = arith.constant 0 : i32
      %dma_start3A_382 = arith.constant 0 : i32
      %dma_start3A_383 = tpu.memref_slice %arg7[%dma_start3A_372, %dma_start3A_381, %dma_start3A_382] : memref<2x128x64xf32, #tpu.memory_space<vmem>> -> memref<1x128x64xf32, #tpu.memory_space<vmem>>
      %dma_start3A_384 = tpu.memref_squeeze %dma_start3A_383 : memref<1x128x64xf32, #tpu.memory_space<vmem>> -> memref<128x64xf32, #tpu.memory_space<vmem>>
      tpu.enqueue_dma source(%dma_start3A_384 : memref<128x64xf32, #tpu.memory_space<vmem>>) target(%dma_start3A_380 : memref<128x64xf32, #tpu.memory_space<hbm>>) target_semaphore(%arg11 : memref<!tpu.dma_semaphore, #tpu.memory_space<semaphore_mem>>)
    }
    %scan3A_125 = arith.constant 23 : i32
    %dma_wait3A_126 = arith.constant 0 : i32
    %dma_wait3A_127 = arith.constant 0 : i32
    %dma_wait3A_128 = arith.constant 0 : i32
    %dma_wait3A_129 = arith.constant 0 : i32
    %dma_wait3A_130 = tpu.memref_slice %arg6[%dma_wait3A_127, %dma_wait3A_128, %dma_wait3A_129] : memref<2x128x64xf32, #tpu.memory_space<vmem>> -> memref<1x128x64xf32, #tpu.memory_space<vmem>>
    %dma_wait3A_131 = tpu.memref_squeeze %dma_wait3A_130 : memref<1x128x64xf32, #tpu.memory_space<vmem>> -> memref<128x64xf32, #tpu.memory_space<vmem>>
    %dma_wait3A_132 = arith.constant 0 : i32
    %dma_wait3A_133 = tpu.memref_slice %arg5[%dma_wait3A_126, %dma_wait3A_132] : memref<50x128xi32, #tpu.memory_space<vmem>> -> memref<1x128xi32, #tpu.memory_space<vmem>>
    %dma_wait3A_134 = tpu.memref_squeeze %dma_wait3A_133 : memref<1x128xi32, #tpu.memory_space<vmem>> -> memref<128xi32, #tpu.memory_space<vmem>>
    %dma_wait3A_135 = arith.constant 0 : i32
    %dma_wait3A_136 = arith.constant 0 : i32
    %dma_wait3A_137 = tpu.memref_slice %arg3[%dma_wait3A_135, %dma_wait3A_136] : memref<2000000x64xf32, #tpu.memory_space<hbm>> -> memref<2000000x64xf32, #tpu.memory_space<hbm>>
    tpu.wait_indirect_dma semaphore(%arg8 : memref<!tpu.dma_semaphore, #tpu.memory_space<semaphore_mem>>) src(%dma_wait3A_137 : memref<2000000x64xf32, #tpu.memory_space<hbm>>) dst(%dma_wait3A_131 : memref<128x64xf32, #tpu.memory_space<vmem>>)
    %dma_wait3A_138 = arith.constant 0 : i32
    %dma_wait3A_139 = arith.constant 0 : i32
    %dma_wait3A_140 = arith.constant 0 : i32
    %dma_wait3A_141 = tpu.memref_slice %arg7[%dma_wait3A_138, %dma_wait3A_139, %dma_wait3A_140] : memref<2x128x64xf32, #tpu.memory_space<vmem>> -> memref<1x128x64xf32, #tpu.memory_space<vmem>>
    %dma_wait3A_142 = tpu.memref_squeeze %dma_wait3A_141 : memref<1x128x64xf32, #tpu.memory_space<vmem>> -> memref<128x64xf32, #tpu.memory_space<vmem>>
    %dma_wait3A_143 = arith.constant 0 : i32
    %dma_wait3A_144 = arith.constant 0 : i32
    %dma_wait3A_145 = tpu.memref_slice %arg4[%dma_wait3A_143, %dma_wait3A_144] : memref<204800x64xf32, #tpu.memory_space<hbm>> -> memref<128x64xf32, #tpu.memory_space<hbm>>
    %dma_wait3A_146 = arith.constant 0 : i32
    %dma_wait3A_147 = arith.constant 0 : i32
    %dma_wait3A_148 = tpu.memref_slice %arg4[%dma_wait3A_146, %dma_wait3A_147] : memref<204800x64xf32, #tpu.memory_space<hbm>> -> memref<128x64xf32, #tpu.memory_space<hbm>>
    %dma_wait3A_149 = arith.constant 0 : i32
    %dma_wait3A_150 = arith.constant 0 : i32
    %dma_wait3A_151 = tpu.memref_slice %arg7[%dma_wait3A_138, %dma_wait3A_149, %dma_wait3A_150] : memref<2x128x64xf32, #tpu.memory_space<vmem>> -> memref<1x128x64xf32, #tpu.memory_space<vmem>>
    %dma_wait3A_152 = tpu.memref_squeeze %dma_wait3A_151 : memref<1x128x64xf32, #tpu.memory_space<vmem>> -> memref<128x64xf32, #tpu.memory_space<vmem>>
    tpu.wait_dma2 semaphore(%arg10 : memref<!tpu.dma_semaphore, #tpu.memory_space<semaphore_mem>>) src(%dma_wait3A_152 : memref<128x64xf32, #tpu.memory_space<vmem>>) dst(%dma_wait3A_148 : memref<128x64xf32, #tpu.memory_space<hbm>>)
    %scan3A_153 = arith.constant 0 : i32
    %scan3A_154 = arith.constant 0 : i32
    %scan3A_155 = arith.constant 128 : i32
    %scan3A_156 = arith.addi %scan3A_154, %scan3A_155 : i32
    %scan3A_157 = arith.constant 1 : i32
    scf.for %scan3A_252 = %scan3A_154 to %scan3A_156 step %scan3A_157  : i32 {
      %get3A = arith.constant 0 : i32
      %get3A_253 = arith.index_cast %get3A : i32 to index
      %get3A_254 = arith.index_cast %scan3A_252 : i32 to index
      %get3A_255 = arith.constant 0 : index
      %get3A_256 = tpu.vector_load %arg6[%get3A_253, %get3A_254, %get3A_255] {strides = array<i32>} : memref<2x128x64xf32, #tpu.memory_space<vmem>>, vector<1x1x16xf32>,
      %get3A_257 = vector.shape_cast %get3A_256 : vector<1x1x16xf32> to vector<16xf32>
      %mul3A_258 = arith.constant 8.000000e+00 : f32
      %mul3A_259 = vector.broadcast %mul3A_258 : f32 to vector<16xf32>
      %mul3A_260 = arith.mulf %get3A_257, %mul3A_259 : vector<16xf32>
      %swap3A = arith.constant 0 : i32
      %swap3A_261 = arith.index_cast %swap3A : i32 to index
      %swap3A_262 = arith.index_cast %scan3A_252 : i32 to index
      %swap3A_263 = arith.constant 0 : index
      %swap3A_264 = tpu.vector_load %arg7[%swap3A_261, %swap3A_262, %swap3A_263] {strides = array<i32>} : memref<2x128x64xf32, #tpu.memory_space<vmem>>, vector<1x1x16xf32>,
      %swap3A_265 = vector.shape_cast %swap3A_264 : vector<1x1x16xf32> to vector<16xf32>
      %swap3A_266 = vector.shape_cast %mul3A_260 : vector<16xf32> to vector<1x1x16xf32>
      tpu.vector_store %arg7[%swap3A_261, %swap3A_262, %swap3A_263], %swap3A_266 {strides = array<i32>} : memref<2x128x64xf32, #tpu.memory_space<vmem>>, vector<1x1x16xf32>,
      %get3A_267 = arith.constant 0 : i32
      %get3A_268 = arith.index_cast %get3A_267 : i32 to index
      %get3A_269 = arith.index_cast %scan3A_252 : i32 to index
      %get3A_270 = arith.constant 16 : index
      %get3A_271 = tpu.vector_load %arg6[%get3A_268, %get3A_269, %get3A_270] {strides = array<i32>} : memref<2x128x64xf32, #tpu.memory_space<vmem>>, vector<1x1x16xf32>,
      %get3A_272 = vector.shape_cast %get3A_271 : vector<1x1x16xf32> to vector<16xf32>
      %mul3A_273 = arith.constant 8.000000e+00 : f32
      %mul3A_274 = vector.broadcast %mul3A_273 : f32 to vector<16xf32>
      %mul3A_275 = arith.mulf %get3A_272, %mul3A_274 : vector<16xf32>
      %swap3A_276 = arith.constant 0 : i32
      %swap3A_277 = arith.index_cast %swap3A_276 : i32 to index
      %swap3A_278 = arith.index_cast %scan3A_252 : i32 to index
      %swap3A_279 = arith.constant 16 : index
      %swap3A_280 = tpu.vector_load %arg7[%swap3A_277, %swap3A_278, %swap3A_279] {strides = array<i32>} : memref<2x128x64xf32, #tpu.memory_space<vmem>>, vector<1x1x16xf32>,
      %swap3A_281 = vector.shape_cast %swap3A_280 : vector<1x1x16xf32> to vector<16xf32>
      %swap3A_282 = vector.shape_cast %mul3A_275 : vector<16xf32> to vector<1x1x16xf32>
      tpu.vector_store %arg7[%swap3A_277, %swap3A_278, %swap3A_279], %swap3A_282 {strides = array<i32>} : memref<2x128x64xf32, #tpu.memory_space<vmem>>, vector<1x1x16xf32>,
      %get3A_283 = arith.constant 0 : i32
      %get3A_284 = arith.index_cast %get3A_283 : i32 to index
      %get3A_285 = arith.index_cast %scan3A_252 : i32 to index
      %get3A_286 = arith.constant 32 : index
      %get3A_287 = tpu.vector_load %arg6[%get3A_284, %get3A_285, %get3A_286] {strides = array<i32>} : memref<2x128x64xf32, #tpu.memory_space<vmem>>, vector<1x1x16xf32>,
      %get3A_288 = vector.shape_cast %get3A_287 : vector<1x1x16xf32> to vector<16xf32>
      %mul3A_289 = arith.constant 8.000000e+00 : f32
      %mul3A_290 = vector.broadcast %mul3A_289 : f32 to vector<16xf32>
      %mul3A_291 = arith.mulf %get3A_288, %mul3A_290 : vector<16xf32>
      %swap3A_292 = arith.constant 0 : i32
      %swap3A_293 = arith.index_cast %swap3A_292 : i32 to index
      %swap3A_294 = arith.index_cast %scan3A_252 : i32 to index
      %swap3A_295 = arith.constant 32 : index
      %swap3A_296 = tpu.vector_load %arg7[%swap3A_293, %swap3A_294, %swap3A_295] {strides = array<i32>} : memref<2x128x64xf32, #tpu.memory_space<vmem>>, vector<1x1x16xf32>,
      %swap3A_297 = vector.shape_cast %swap3A_296 : vector<1x1x16xf32> to vector<16xf32>
      %swap3A_298 = vector.shape_cast %mul3A_291 : vector<16xf32> to vector<1x1x16xf32>
      tpu.vector_store %arg7[%swap3A_293, %swap3A_294, %swap3A_295], %swap3A_298 {strides = array<i32>} : memref<2x128x64xf32, #tpu.memory_space<vmem>>, vector<1x1x16xf32>,
      %get3A_299 = arith.constant 0 : i32
      %get3A_300 = arith.index_cast %get3A_299 : i32 to index
      %get3A_301 = arith.index_cast %scan3A_252 : i32 to index
      %get3A_302 = arith.constant 48 : index
      %get3A_303 = tpu.vector_load %arg6[%get3A_300, %get3A_301, %get3A_302] {strides = array<i32>} : memref<2x128x64xf32, #tpu.memory_space<vmem>>, vector<1x1x16xf32>,
      %get3A_304 = vector.shape_cast %get3A_303 : vector<1x1x16xf32> to vector<16xf32>
      %mul3A_305 = arith.constant 8.000000e+00 : f32
      %mul3A_306 = vector.broadcast %mul3A_305 : f32 to vector<16xf32>
      %mul3A_307 = arith.mulf %get3A_304, %mul3A_306 : vector<16xf32>
      %swap3A_308 = arith.constant 0 : i32
      %swap3A_309 = arith.index_cast %swap3A_308 : i32 to index
      %swap3A_310 = arith.index_cast %scan3A_252 : i32 to index
      %swap3A_311 = arith.constant 48 : index
      %swap3A_312 = tpu.vector_load %arg7[%swap3A_309, %swap3A_310, %swap3A_311] {strides = array<i32>} : memref<2x128x64xf32, #tpu.memory_space<vmem>>, vector<1x1x16xf32>,
      %swap3A_313 = vector.shape_cast %swap3A_312 : vector<1x1x16xf32> to vector<16xf32>
      %swap3A_314 = vector.shape_cast %mul3A_307 : vector<16xf32> to vector<1x1x16xf32>
      tpu.vector_store %arg7[%swap3A_309, %swap3A_310, %swap3A_311], %swap3A_314 {strides = array<i32>} : memref<2x128x64xf32, #tpu.memory_space<vmem>>, vector<1x1x16xf32>,
    }
    %scan3A_158 = arith.constant 128 : i32
    %add3A_159 = arith.constant 196608 : i32
    %add3A_160 = arith.addi %add3A_159, %mul3A_2 : i32
    %dma_start3A_161 = arith.constant 0 : i32
    %dma_start3A_162 = arith.constant 0 : i32
    %dma_start3A_163 = arith.constant 0 : i32
    %dma_start3A_164 = tpu.memref_slice %arg7[%dma_start3A_161, %dma_start3A_162, %dma_start3A_163] : memref<2x128x64xf32, #tpu.memory_space<vmem>> -> memref<1x128x64xf32, #tpu.memory_space<vmem>>
    %dma_start3A_165 = tpu.memref_squeeze %dma_start3A_164 : memref<1x128x64xf32, #tpu.memory_space<vmem>> -> memref<128x64xf32, #tpu.memory_space<vmem>>
    %dma_start3A_166 = arith.constant 0 : i32
    %dma_start3A_167 = tpu.memref_slice %arg4[%add3A_160, %dma_start3A_166] : memref<204800x64xf32, #tpu.memory_space<hbm>> -> memref<128x64xf32, #tpu.memory_space<hbm>>
    %dma_start3A_168 = arith.constant 0 : i32
    %dma_start3A_169 = tpu.memref_slice %arg4[%add3A_160, %dma_start3A_168] : memref<204800x64xf32, #tpu.memory_space<hbm>> -> memref<128x64xf32, #tpu.memory_space<hbm>>
    %dma_start3A_170 = arith.constant 0 : i32
    %dma_start3A_171 = arith.constant 0 : i32
    %dma_start3A_172 = tpu.memref_slice %arg7[%dma_start3A_161, %dma_start3A_170, %dma_start3A_171] : memref<2x128x64xf32, #tpu.memory_space<vmem>> -> memref<1x128x64xf32, #tpu.memory_space<vmem>>
    %dma_start3A_173 = tpu.memref_squeeze %dma_start3A_172 : memref<1x128x64xf32, #tpu.memory_space<vmem>> -> memref<128x64xf32, #tpu.memory_space<vmem>>
    tpu.enqueue_dma source(%dma_start3A_173 : memref<128x64xf32, #tpu.memory_space<vmem>>) target(%dma_start3A_169 : memref<128x64xf32, #tpu.memory_space<hbm>>) target_semaphore(%arg10 : memref<!tpu.dma_semaphore, #tpu.memory_space<semaphore_mem>>)
    %dma_wait3A_174 = arith.constant 0 : i32
    %dma_wait3A_175 = arith.constant 1 : i32
    %dma_wait3A_176 = arith.constant 0 : i32
    %dma_wait3A_177 = arith.constant 0 : i32
    %dma_wait3A_178 = tpu.memref_slice %arg6[%dma_wait3A_175, %dma_wait3A_176, %dma_wait3A_177] : memref<2x128x64xf32, #tpu.memory_space<vmem>> -> memref<1x128x64xf32, #tpu.memory_space<vmem>>
    %dma_wait3A_179 = tpu.memref_squeeze %dma_wait3A_178 : memref<1x128x64xf32, #tpu.memory_space<vmem>> -> memref<128x64xf32, #tpu.memory_space<vmem>>
    %dma_wait3A_180 = arith.constant 0 : i32
    %dma_wait3A_181 = tpu.memref_slice %arg5[%dma_wait3A_174, %dma_wait3A_180] : memref<50x128xi32, #tpu.memory_space<vmem>> -> memref<1x128xi32, #tpu.memory_space<vmem>>
    %dma_wait3A_182 = tpu.memref_squeeze %dma_wait3A_181 : memref<1x128xi32, #tpu.memory_space<vmem>> -> memref<128xi32, #tpu.memory_space<vmem>>
    %dma_wait3A_183 = arith.constant 0 : i32
    %dma_wait3A_184 = arith.constant 0 : i32
    %dma_wait3A_185 = tpu.memref_slice %arg3[%dma_wait3A_183, %dma_wait3A_184] : memref<2000000x64xf32, #tpu.memory_space<hbm>> -> memref<2000000x64xf32, #tpu.memory_space<hbm>>
    tpu.wait_indirect_dma semaphore(%arg9 : memref<!tpu.dma_semaphore, #tpu.memory_space<semaphore_mem>>) src(%dma_wait3A_185 : memref<2000000x64xf32, #tpu.memory_space<hbm>>) dst(%dma_wait3A_179 : memref<128x64xf32, #tpu.memory_space<vmem>>)
    %dma_wait3A_186 = arith.constant 1 : i32
    %dma_wait3A_187 = arith.constant 0 : i32
    %dma_wait3A_188 = arith.constant 0 : i32
    %dma_wait3A_189 = tpu.memref_slice %arg7[%dma_wait3A_186, %dma_wait3A_187, %dma_wait3A_188] : memref<2x128x64xf32, #tpu.memory_space<vmem>> -> memref<1x128x64xf32, #tpu.memory_space<vmem>>
    %dma_wait3A_190 = tpu.memref_squeeze %dma_wait3A_189 : memref<1x128x64xf32, #tpu.memory_space<vmem>> -> memref<128x64xf32, #tpu.memory_space<vmem>>
    %dma_wait3A_191 = arith.constant 0 : i32
    %dma_wait3A_192 = arith.constant 0 : i32
    %dma_wait3A_193 = tpu.memref_slice %arg4[%dma_wait3A_191, %dma_wait3A_192] : memref<204800x64xf32, #tpu.memory_space<hbm>> -> memref<128x64xf32, #tpu.memory_space<hbm>>
    %dma_wait3A_194 = arith.constant 0 : i32
    %dma_wait3A_195 = arith.constant 0 : i32
    %dma_wait3A_196 = tpu.memref_slice %arg4[%dma_wait3A_194, %dma_wait3A_195] : memref<204800x64xf32, #tpu.memory_space<hbm>> -> memref<128x64xf32, #tpu.memory_space<hbm>>
    %dma_wait3A_197 = arith.constant 0 : i32
    %dma_wait3A_198 = arith.constant 0 : i32
    %dma_wait3A_199 = tpu.memref_slice %arg7[%dma_wait3A_186, %dma_wait3A_197, %dma_wait3A_198] : memref<2x128x64xf32, #tpu.memory_space<vmem>> -> memref<1x128x64xf32, #tpu.memory_space<vmem>>
    %dma_wait3A_200 = tpu.memref_squeeze %dma_wait3A_199 : memref<1x128x64xf32, #tpu.memory_space<vmem>> -> memref<128x64xf32, #tpu.memory_space<vmem>>
    tpu.wait_dma2 semaphore(%arg11 : memref<!tpu.dma_semaphore, #tpu.memory_space<semaphore_mem>>) src(%dma_wait3A_200 : memref<128x64xf32, #tpu.memory_space<vmem>>) dst(%dma_wait3A_196 : memref<128x64xf32, #tpu.memory_space<hbm>>)
    %scan3A_201 = arith.constant 0 : i32
    %scan3A_202 = arith.constant 0 : i32
    %scan3A_203 = arith.constant 128 : i32
    %scan3A_204 = arith.addi %scan3A_202, %scan3A_203 : i32
    %scan3A_205 = arith.constant 1 : i32
    scf.for %scan3A_252 = %scan3A_202 to %scan3A_204 step %scan3A_205  : i32 {
      %get3A = arith.constant 1 : i32
      %get3A_253 = arith.index_cast %get3A : i32 to index
      %get3A_254 = arith.index_cast %scan3A_252 : i32 to index
      %get3A_255 = arith.constant 0 : index
      %get3A_256 = tpu.vector_load %arg6[%get3A_253, %get3A_254, %get3A_255] {strides = array<i32>} : memref<2x128x64xf32, #tpu.memory_space<vmem>>, vector<1x1x16xf32>,
      %get3A_257 = vector.shape_cast %get3A_256 : vector<1x1x16xf32> to vector<16xf32>
      %mul3A_258 = arith.constant 8.000000e+00 : f32
      %mul3A_259 = vector.broadcast %mul3A_258 : f32 to vector<16xf32>
      %mul3A_260 = arith.mulf %get3A_257, %mul3A_259 : vector<16xf32>
      %swap3A = arith.constant 1 : i32
      %swap3A_261 = arith.index_cast %swap3A : i32 to index
      %swap3A_262 = arith.index_cast %scan3A_252 : i32 to index
      %swap3A_263 = arith.constant 0 : index
      %swap3A_264 = tpu.vector_load %arg7[%swap3A_261, %swap3A_262, %swap3A_263] {strides = array<i32>} : memref<2x128x64xf32, #tpu.memory_space<vmem>>, vector<1x1x16xf32>,
      %swap3A_265 = vector.shape_cast %swap3A_264 : vector<1x1x16xf32> to vector<16xf32>
      %swap3A_266 = vector.shape_cast %mul3A_260 : vector<16xf32> to vector<1x1x16xf32>
      tpu.vector_store %arg7[%swap3A_261, %swap3A_262, %swap3A_263], %swap3A_266 {strides = array<i32>} : memref<2x128x64xf32, #tpu.memory_space<vmem>>, vector<1x1x16xf32>,
      %get3A_267 = arith.constant 1 : i32
      %get3A_268 = arith.index_cast %get3A_267 : i32 to index
      %get3A_269 = arith.index_cast %scan3A_252 : i32 to index
      %get3A_270 = arith.constant 16 : index
      %get3A_271 = tpu.vector_load %arg6[%get3A_268, %get3A_269, %get3A_270] {strides = array<i32>} : memref<2x128x64xf32, #tpu.memory_space<vmem>>, vector<1x1x16xf32>,
      %get3A_272 = vector.shape_cast %get3A_271 : vector<1x1x16xf32> to vector<16xf32>
      %mul3A_273 = arith.constant 8.000000e+00 : f32
      %mul3A_274 = vector.broadcast %mul3A_273 : f32 to vector<16xf32>
      %mul3A_275 = arith.mulf %get3A_272, %mul3A_274 : vector<16xf32>
      %swap3A_276 = arith.constant 1 : i32
      %swap3A_277 = arith.index_cast %swap3A_276 : i32 to index
      %swap3A_278 = arith.index_cast %scan3A_252 : i32 to index
      %swap3A_279 = arith.constant 16 : index
      %swap3A_280 = tpu.vector_load %arg7[%swap3A_277, %swap3A_278, %swap3A_279] {strides = array<i32>} : memref<2x128x64xf32, #tpu.memory_space<vmem>>, vector<1x1x16xf32>,
      %swap3A_281 = vector.shape_cast %swap3A_280 : vector<1x1x16xf32> to vector<16xf32>
      %swap3A_282 = vector.shape_cast %mul3A_275 : vector<16xf32> to vector<1x1x16xf32>
      tpu.vector_store %arg7[%swap3A_277, %swap3A_278, %swap3A_279], %swap3A_282 {strides = array<i32>} : memref<2x128x64xf32, #tpu.memory_space<vmem>>, vector<1x1x16xf32>,
      %get3A_283 = arith.constant 1 : i32
      %get3A_284 = arith.index_cast %get3A_283 : i32 to index
      %get3A_285 = arith.index_cast %scan3A_252 : i32 to index
      %get3A_286 = arith.constant 32 : index
      %get3A_287 = tpu.vector_load %arg6[%get3A_284, %get3A_285, %get3A_286] {strides = array<i32>} : memref<2x128x64xf32, #tpu.memory_space<vmem>>, vector<1x1x16xf32>,
      %get3A_288 = vector.shape_cast %get3A_287 : vector<1x1x16xf32> to vector<16xf32>
      %mul3A_289 = arith.constant 8.000000e+00 : f32
      %mul3A_290 = vector.broadcast %mul3A_289 : f32 to vector<16xf32>
      %mul3A_291 = arith.mulf %get3A_288, %mul3A_290 : vector<16xf32>
      %swap3A_292 = arith.constant 1 : i32
      %swap3A_293 = arith.index_cast %swap3A_292 : i32 to index
      %swap3A_294 = arith.index_cast %scan3A_252 : i32 to index
      %swap3A_295 = arith.constant 32 : index
      %swap3A_296 = tpu.vector_load %arg7[%swap3A_293, %swap3A_294, %swap3A_295] {strides = array<i32>} : memref<2x128x64xf32, #tpu.memory_space<vmem>>, vector<1x1x16xf32>,
      %swap3A_297 = vector.shape_cast %swap3A_296 : vector<1x1x16xf32> to vector<16xf32>
      %swap3A_298 = vector.shape_cast %mul3A_291 : vector<16xf32> to vector<1x1x16xf32>
      tpu.vector_store %arg7[%swap3A_293, %swap3A_294, %swap3A_295], %swap3A_298 {strides = array<i32>} : memref<2x128x64xf32, #tpu.memory_space<vmem>>, vector<1x1x16xf32>,
      %get3A_299 = arith.constant 1 : i32
      %get3A_300 = arith.index_cast %get3A_299 : i32 to index
      %get3A_301 = arith.index_cast %scan3A_252 : i32 to index
      %get3A_302 = arith.constant 48 : index
      %get3A_303 = tpu.vector_load %arg6[%get3A_300, %get3A_301, %get3A_302] {strides = array<i32>} : memref<2x128x64xf32, #tpu.memory_space<vmem>>, vector<1x1x16xf32>,
      %get3A_304 = vector.shape_cast %get3A_303 : vector<1x1x16xf32> to vector<16xf32>
      %mul3A_305 = arith.constant 8.000000e+00 : f32
      %mul3A_306 = vector.broadcast %mul3A_305 : f32 to vector<16xf32>
      %mul3A_307 = arith.mulf %get3A_304, %mul3A_306 : vector<16xf32>
      %swap3A_308 = arith.constant 1 : i32
      %swap3A_309 = arith.index_cast %swap3A_308 : i32 to index
      %swap3A_310 = arith.index_cast %scan3A_252 : i32 to index
      %swap3A_311 = arith.constant 48 : index
      %swap3A_312 = tpu.vector_load %arg7[%swap3A_309, %swap3A_310, %swap3A_311] {strides = array<i32>} : memref<2x128x64xf32, #tpu.memory_space<vmem>>, vector<1x1x16xf32>,
      %swap3A_313 = vector.shape_cast %swap3A_312 : vector<1x1x16xf32> to vector<16xf32>
      %swap3A_314 = vector.shape_cast %mul3A_307 : vector<16xf32> to vector<1x1x16xf32>
      tpu.vector_store %arg7[%swap3A_309, %swap3A_310, %swap3A_311], %swap3A_314 {strides = array<i32>} : memref<2x128x64xf32, #tpu.memory_space<vmem>>, vector<1x1x16xf32>,
    }
    %scan3A_206 = arith.constant 128 : i32
    %add3A_207 = arith.constant 200704 : i32
    %add3A_208 = arith.addi %add3A_207, %mul3A_2 : i32
    %dma_start3A_209 = arith.constant 1 : i32
    %dma_start3A_210 = arith.constant 0 : i32
    %dma_start3A_211 = arith.constant 0 : i32
    %dma_start3A_212 = tpu.memref_slice %arg7[%dma_start3A_209, %dma_start3A_210, %dma_start3A_211] : memref<2x128x64xf32, #tpu.memory_space<vmem>> -> memref<1x128x64xf32, #tpu.memory_space<vmem>>
    %dma_start3A_213 = tpu.memref_squeeze %dma_start3A_212 : memref<1x128x64xf32, #tpu.memory_space<vmem>> -> memref<128x64xf32, #tpu.memory_space<vmem>>
    %dma_start3A_214 = arith.constant 0 : i32
    %dma_start3A_215 = tpu.memref_slice %arg4[%add3A_208, %dma_start3A_214] : memref<204800x64xf32, #tpu.memory_space<hbm>> -> memref<128x64xf32, #tpu.memory_space<hbm>>
    %dma_start3A_216 = arith.constant 0 : i32
    %dma_start3A_217 = tpu.memref_slice %arg4[%add3A_208, %dma_start3A_216] : memref<204800x64xf32, #tpu.memory_space<hbm>> -> memref<128x64xf32, #tpu.memory_space<hbm>>
    %dma_start3A_218 = arith.constant 0 : i32
    %dma_start3A_219 = arith.constant 0 : i32
    %dma_start3A_220 = tpu.memref_slice %arg7[%dma_start3A_209, %dma_start3A_218, %dma_start3A_219] : memref<2x128x64xf32, #tpu.memory_space<vmem>> -> memref<1x128x64xf32, #tpu.memory_space<vmem>>
    %dma_start3A_221 = tpu.memref_squeeze %dma_start3A_220 : memref<1x128x64xf32, #tpu.memory_space<vmem>> -> memref<128x64xf32, #tpu.memory_space<vmem>>
    tpu.enqueue_dma source(%dma_start3A_221 : memref<128x64xf32, #tpu.memory_space<vmem>>) target(%dma_start3A_217 : memref<128x64xf32, #tpu.memory_space<hbm>>) target_semaphore(%arg11 : memref<!tpu.dma_semaphore, #tpu.memory_space<semaphore_mem>>)
    %dma_wait3A_222 = arith.constant 0 : i32
    %dma_wait3A_223 = arith.constant 0 : i32
    %dma_wait3A_224 = arith.constant 0 : i32
    %dma_wait3A_225 = tpu.memref_slice %arg7[%dma_wait3A_222, %dma_wait3A_223, %dma_wait3A_224] : memref<2x128x64xf32, #tpu.memory_space<vmem>> -> memref<1x128x64xf32, #tpu.memory_space<vmem>>
    %dma_wait3A_226 = tpu.memref_squeeze %dma_wait3A_225 : memref<1x128x64xf32, #tpu.memory_space<vmem>> -> memref<128x64xf32, #tpu.memory_space<vmem>>
    %dma_wait3A_227 = arith.constant 0 : i32
    %dma_wait3A_228 = arith.constant 0 : i32
    %dma_wait3A_229 = tpu.memref_slice %arg4[%dma_wait3A_227, %dma_wait3A_228] : memref<204800x64xf32, #tpu.memory_space<hbm>> -> memref<128x64xf32, #tpu.memory_space<hbm>>
    %dma_wait3A_230 = arith.constant 0 : i32
    %dma_wait3A_231 = arith.constant 0 : i32
    %dma_wait3A_232 = tpu.memref_slice %arg4[%dma_wait3A_230, %dma_wait3A_231] : memref<204800x64xf32, #tpu.memory_space<hbm>> -> memref<128x64xf32, #tpu.memory_space<hbm>>
    %dma_wait3A_233 = arith.constant 0 : i32
    %dma_wait3A_234 = arith.constant 0 : i32
    %dma_wait3A_235 = tpu.memref_slice %arg7[%dma_wait3A_222, %dma_wait3A_233, %dma_wait3A_234] : memref<2x128x64xf32, #tpu.memory_space<vmem>> -> memref<1x128x64xf32, #tpu.memory_space<vmem>>
    %dma_wait3A_236 = tpu.memref_squeeze %dma_wait3A_235 : memref<1x128x64xf32, #tpu.memory_space<vmem>> -> memref<128x64xf32, #tpu.memory_space<vmem>>
    tpu.wait_dma2 semaphore(%arg10 : memref<!tpu.dma_semaphore, #tpu.memory_space<semaphore_mem>>) src(%dma_wait3A_236 : memref<128x64xf32, #tpu.memory_space<vmem>>) dst(%dma_wait3A_232 : memref<128x64xf32, #tpu.memory_space<hbm>>)
    %dma_wait3A_237 = arith.constant 1 : i32
    %dma_wait3A_238 = arith.constant 0 : i32
    %dma_wait3A_239 = arith.constant 0 : i32
    %dma_wait3A_240 = tpu.memref_slice %arg7[%dma_wait3A_237, %dma_wait3A_238, %dma_wait3A_239] : memref<2x128x64xf32, #tpu.memory_space<vmem>> -> memref<1x128x64xf32, #tpu.memory_space<vmem>>
    %dma_wait3A_241 = tpu.memref_squeeze %dma_wait3A_240 : memref<1x128x64xf32, #tpu.memory_space<vmem>> -> memref<128x64xf32, #tpu.memory_space<vmem>>
    %dma_wait3A_242 = arith.constant 0 : i32
    %dma_wait3A_243 = arith.constant 0 : i32
    %dma_wait3A_244 = tpu.memref_slice %arg4[%dma_wait3A_242, %dma_wait3A_243] : memref<204800x64xf32, #tpu.memory_space<hbm>> -> memref<128x64xf32, #tpu.memory_space<hbm>>
    %dma_wait3A_245 = arith.constant 0 : i32
    %dma_wait3A_246 = arith.constant 0 : i32
    %dma_wait3A_247 = tpu.memref_slice %arg4[%dma_wait3A_245, %dma_wait3A_246] : memref<204800x64xf32, #tpu.memory_space<hbm>> -> memref<128x64xf32, #tpu.memory_space<hbm>>
    %dma_wait3A_248 = arith.constant 0 : i32
    %dma_wait3A_249 = arith.constant 0 : i32
    %dma_wait3A_250 = tpu.memref_slice %arg7[%dma_wait3A_237, %dma_wait3A_248, %dma_wait3A_249] : memref<2x128x64xf32, #tpu.memory_space<vmem>> -> memref<1x128x64xf32, #tpu.memory_space<vmem>>
    %dma_wait3A_251 = tpu.memref_squeeze %dma_wait3A_250 : memref<1x128x64xf32, #tpu.memory_space<vmem>> -> memref<128x64xf32, #tpu.memory_space<vmem>>
    tpu.wait_dma2 semaphore(%arg11 : memref<!tpu.dma_semaphore, #tpu.memory_space<semaphore_mem>>) src(%dma_wait3A_251 : memref<128x64xf32, #tpu.memory_space<vmem>>) dst(%dma_wait3A_247 : memref<128x64xf32, #tpu.memory_space<hbm>>)
    return
  }
}

module attributes {stable_mosaic.version = 14 : i64} {
  func.func @body(%arg0: i32, %arg1: memref<64x16384xf32, #tpu.memory_space<vmem>>, %arg2: memref<16384x128xf32, #tpu.memory_space<vmem>>) attributes {dimension_semantics = [#tpu.dimension_semantics<arbitrary>], iteration_bounds = array<i64: 62>, scalar_prefetch = 0 : i64, scratch_operands = 0 : i64, tpu.core_type = #tpu.core_type<tc>, window_params = [{transform_indices = @transform_0, window_bounds = array<i64: 64, 16384>}, {transform_indices = @transform_1, window_bounds = array<i64: 16384, 128>}]} {
    %get3A = arith.constant 0 : index
    %get3A_0 = arith.constant 0 : index
    %get3A_1 = vector.load %arg1[%get3A, %get3A_0] : memref<64x16384xf32, #tpu.memory_space<vmem>>, vector<64x16384xf32>
    %transpose3A = tpu.transpose %get3A_1, [1, 0] : vector<64x16384xf32> -> vector<16384x64xf32>
    %concatenate3A = tpu.concatenate %transpose3A, %transpose3A in 1 : vector<16384x64xf32>, vector<16384x64xf32> -> vector<16384x128xf32>
    %swap3A = arith.constant 0 : index
    %swap3A_2 = arith.constant 0 : index
    %swap3A_3 = vector.load %arg2[%swap3A, %swap3A_2] : memref<16384x128xf32, #tpu.memory_space<vmem>>, vector<16384x128xf32>
    tpu.vector_store %arg2[%swap3A, %swap3A_2], %concatenate3A {strides = array<i32>} : memref<16384x128xf32, #tpu.memory_space<vmem>>, vector<16384x128xf32>,
    return
  }
  func.func @transform_0(%arg0: i32) -> (i32, i32) {
    %c0_i32 = arith.constant 0 : i32
    %c0_i32_0 = arith.constant 0 : i32
    return %c0_i32, %arg0 : i32, i32
  }
  func.func @transform_1(%arg0: i32) -> (i32, i32) {
    %c0_i32 = arith.constant 0 : i32
    %c0_i32_0 = arith.constant 0 : i32
    return %arg0, %c0_i32 : i32, i32
  }
}

</mosaic_0001>

<sc_bundles>
// kernel: kernel.4.cloned.1.call-start
scs
__scs_entry_jumppad:
0x0: {  	(pc) =	sbr.rel $0x88, $3  }
0x1: {  	(tag) =	ssettag $0x0;
	lr =	simm.s32 $0x1  }
0x2: {  	[smem:$0x3F9F] =	sst lr;
	_ =	strace $0xD0000000  }
0x3: {  	_ = 	snop  }
0x4: {  	_ = 	snop  }
0x5: {  	_ = 	snop  }
0x6: {  	_ = 	snop  }
0x7: {  	_ = 	snop  }
__scs_overlays_trampoline_lowered:
0x8: {  	[smem:$0x3FAE] =	sst s0  }
0x9: {  	[smem:$0x3FAF] =	sst s1  }
0xa: {  	[smem:$0x3FB0] =	sst s2  }
0xb: {  	[smem:$0x3FB1] =	sst s3  }
0xc: {  	[smem:$0x3FB2] =	sst s4  }
0xd: {  	[smem:$0x3FB3] =	sst s5  }
0xe: {  	[smem:$0x3FB4] =	sst s6  }
0xf: {  	[smem:$0x3FB5] =	sst s7  }
0x10: {  	[smem:$0x3FB6] =	sst s8  }
0x11: {  	[smem:$0x3FB7] =	sst s9;
	s0 =	simm.s32 @!p0 $0x0  }
0x12: {  	s1 =	sld [smem:$0x3F9D];
	s0 =	simm.s32 @p0 $0x1  }
0x13: {  	[smem:$0x3FB8] =	sst s0;
	s0 =	simm.s32 @!p1 $0x0  }
0x14: {  	s2 =	sld [smem:$0x3F9C];
	s0 =	simm.s32 @p1 $0x1  }
0x15: {  	[smem:$0x3FB9] =	sst s0;
	s0 =	simm.s32 @!p2 $0x0  }
0x16: {  	s3 =	sld [smem:$0x3FDB];
	s0 =	simm.s32 @p2 $0x1  }
0x17: {  	s4 =	simm.s32 $0x1BF5;
	[smem:$0x3FBB] =	sst s0  }
0x18: {  	s0 =	sld [smem:$0x3F9E];
	_ =	swait.ge [sflag:s4], $0x0  }
0x19: {  	s7 =	sld [smem:$0x3F9F]  }
0x1a: {  	s8 =	sadd.s32 $0xFFFFE003, lr  }
0x1b: {  	s9 =	sadd.s32 $0xFFFFFEF7, lr;
	s5 =	simm.s32 $0xFFFFFFFF;
	p2 =	slt.u32 s8, $0xFFFFF086  }
0x1c: {  	p1 =	slt.u32 s9, $0xF7A;
	s5 =	simm.s32 @!p2 $0x0  }
0x1d: {  	s5 =	simm.s32 @p1 $0x1;
	p0 =	seq.s32 s7, s2  }
0x1e: {  	s7 =	smul.u32 @!p0 $0xF7A, s2;
	p2 =	seq.s32 @!p0 s5, $0x0  }
0x1f: {  	s9 =	smul.u32 $0xF7A, s1;
	s8 =	simm.s32 @!p0 $0x1BF5;
	p2 =	por !p2, p0  }
0x20: {  	[sflag:s8] =	ssyncset.s32 @!p0 $0xFFFFF086;
	s6 =	sadd.s32 @!p0 s3, s7;
	s7 =	simm.s32 @!p0 $0x108  }
0x21: {  	s3 =	sadd.s32 s3, s9;
	s6 =	sadd.s32 @!p0 $0x88, s6;
	s7 =	simm.s32 @p2 $0x1082  }
0x22: {  	[simem:s7], [sflag:s8] =	dma.local @!p0 [hbm:s6], $0xF7A  }
0x23: {  	s9 =	sor.u32 $0xD0000000, s2;
	s6 =	simm.s32 $0x108;
	_ =	swait.ge @!p0 [sflag:s8], $0x0  }
0x24: {  	s3 =	sadd.s32 $0x88, s3;
	s6 =	simm.s32 @!p1 $0x1082;
	[sflag:s4] =	ssyncset.s32 $0xFFFFF086  }
0x25: {  	[simem:s6], [sflag:s4] =	dma.local [hbm:s3], $0xF7A  }
0x26: {  	[smem:$0x3F9F] =	sst s1;
	(tag) =	ssettag s2;
	_ =	strace s9  }
0x27: {  	s1 =	sld [smem:$0x3FAF]  }
0x28: {  	s2 =	sld [smem:$0x3FB0]  }
0x29: {  	s4 =	sld [smem:$0x3FB2]  }
0x2a: {  	p0 =	seq.s32 s5, $0x0;
	s5 =	sld [smem:$0x3FB3]  }
0x2b: {  	s6 =	sld [smem:$0x3FB4]  }
0x2c: {  	s7 =	sld [smem:$0x3FB5]  }
0x2d: {  	s3 =	simm.s32 $0x108;
	s8 =	sld [smem:$0x3FB6]  }
0x2e: {  	s3 =	simm.s32 @!p0 $0x1082;
	s9 =	sld [smem:$0x3FB7]  }
0x2f: {  	lr =	sadd.s32 s0, s3;
	s0 =	sld [smem:$0x3FAE]  }
0x30: {  	s3 =	sld [smem:$0x3FB1]  }
0x31: {  	[smem:$0x3FBA] =	sst s10  }
0x32: {  	s10 =	sld [smem:$0x3FB8];
	_ =	sdelay $0x3  }
0x33: {  	p0 =	seq.s32 s10, $0x1;
	s10 =	sld [smem:$0x3FBA];
	_ =	sdelay $0x3  }
0x34: {  	[smem:$0x3FBA] =	sst s10  }
0x35: {  	s10 =	sld [smem:$0x3FB9];
	_ =	sdelay $0x3  }
0x36: {  	p1 =	seq.s32 s10, $0x1;
	s10 =	sld [smem:$0x3FBA];
	_ =	sdelay $0x3  }
0x37: {  	[smem:$0x3FBA] =	sst s10  }
0x38: {  	s10 =	sld [smem:$0x3FBB]  }
0x39: {  	_ = 	snop;
	(pc) =	sbr.ind lr, $3  }
0x3a: {  	_ = 	snop  }
0x3b: {  	_ = 	snop  }
0x3c: {  	p2 =	seq.s32 s10, $0x1;
	s10 =	sld [smem:$0x3FBA]  }
0x3d: {  	_ =	shalt  }
0x3e: {  	_ =	shalt  }
0x3f: {  	_ =	shalt  }
0x40: {  	_ =	shalt  }
0x41: {  	_ =	shalt  }
0x42: {  	_ =	shalt  }
0x43: {  	_ =	shalt  }
0x44: {  	_ =	shalt  }
0x45: {  	_ =	shalt  }
0x46: {  	_ =	shalt  }
0x47: {  	_ =	shalt  }
0x48: {  	_ =	shalt  }
0x49: {  	_ =	shalt  }
0x4a: {  	_ =	shalt  }
0x4b: {  	_ =	shalt  }
0x4c: {  	_ =	shalt  }
0x4d: {  	_ =	shalt  }
0x4e: {  	_ =	shalt  }
0x4f: {  	_ =	shalt  }
0x50: {  	_ =	shalt  }
0x51: {  	_ =	shalt  }
0x52: {  	_ =	shalt  }
0x53: {  	_ =	shalt  }
0x54: {  	_ =	shalt  }
0x55: {  	_ =	shalt  }
0x56: {  	_ =	shalt  }
0x57: {  	_ =	shalt  }
0x58: {  	_ =	shalt  }
0x59: {  	_ =	shalt  }
0x5a: {  	_ =	shalt  }
0x5b: {  	_ =	shalt  }
0x5c: {  	_ =	shalt  }
0x5d: {  	_ =	shalt  }
0x5e: {  	_ =	shalt  }
0x5f: {  	_ =	shalt  }
0x60: {  	_ =	shalt  }
0x61: {  	_ =	shalt  }
0x62: {  	_ =	shalt  }
0x63: {  	_ =	shalt  }
0x64: {  	_ =	shalt  }
0x65: {  	_ =	shalt  }
0x66: {  	_ =	shalt  }
0x67: {  	_ =	shalt  }
0x68: {  	_ =	shalt  }
0x69: {  	_ =	shalt  }
0x6a: {  	_ =	shalt  }
0x6b: {  	_ =	shalt  }
0x6c: {  	_ =	shalt  }
0x6d: {  	_ =	shalt  }
0x6e: {  	_ =	shalt  }
0x6f: {  	_ =	shalt  }
0x70: {  	_ =	shalt  }
0x71: {  	_ =	shalt  }
0x72: {  	_ =	shalt  }
0x73: {  	_ =	shalt  }
0x74: {  	_ =	shalt  }
0x75: {  	_ =	shalt  }
0x76: {  	_ =	shalt  }
0x77: {  	_ =	shalt  }
0x78: {  	_ =	shalt  }
0x79: {  	_ =	shalt  }
0x7a: {  	_ =	shalt  }
0x7b: {  	_ =	shalt  }
0x7c: {  	_ =	shalt  }
0x7d: {  	_ =	shalt  }
0x7e: {  	_ =	shalt  }
0x7f: {  	_ =	shalt  }
0x80: {  	_ =	shalt  }
0x81: {  	_ =	shalt  }
0x82: {  	_ =	shalt  }
0x83: {  	_ =	shalt  }
0x84: {  	_ =	shalt  }
0x85: {  	_ =	shalt  }
0x86: {  	_ =	shalt  }
0x87: {  	_ =	shalt  }
.Lfunc_end0:
.L_simem_size_0:
called_computation.1_lowered:
.L_overlay_start_0:
0x88: {  	s2 =	sld [smem:$0x3FD9]  }
0x89: {  	s3 =	sld [smem:$0x3FFE];
	_ =	sdelay $0x1  }
0x8a: {  	s1 =	srdreg.scid  }
0x8b: {  	s0 =	sand.u32 $0x1, s1  }
0x8c: {  	s17 =	sshll.u32 s0, $0xA;
	s2 =	sadd.s32 s3, s2  }
0x8d: {  	s2 =	sadd.s32 s2, s17  }
0x8e: {  	[smem:$0x3FC6] =	sst s2  }
0x8f: {  	_ = 	snop  }
0x90: {  	s2 =	sld [smem:$0x3FD0];
	(tm) =	ssettm $0x1  }
0x91: {  	s18 =	sld [smem:$0x3FFB];
	_ =	sdelay $0x3  }
0x92: {  	_ =	strace s18  }
0x93: {  	s3 =	sld [smem:$0x3FFC];
	_ =	sdelay $0x3  }
0x94: {  	_ =	strace s3  }
0x95: {  	s3 =	sld [smem:$0x3FFD];
	_ =	sdelay $0x3  }
0x96: {  	_ =	strace s3  }
0x97: {  	_ =	strace $0x8FFFFFFF  }
0x98: {  	s19 =	sld [smem:$0x3FDB];
	_ =	sdelay $0x1  }
0x99: {  	s4 =	simm.s32 $_scs_section_size  }
0x9a: {  	s5 =	simm.s32 $_size__tile_overlayer_lowered;
	s6 =	simm.s32 $_tile_overlayer_lowered  }
0x9b: {  	s22 =	simm.s32 $0x1BFF;
	s21 =	sshll.u32 s6, $0x1;
	s3 =	sadd.s32 s4, s19  }
0x9c: {  	s7 =	simm.s32 $0x0;
	s20 =	sshll.u32 s5, $0x1;
	s5 =	sadd.s32 s21, s3  }
0x9d: {  	[timem:s7], [sflag:s22] =	dma.local [hbm:s5], s20  }
0x9e: {  	_ =	swait.ge [sflag:s22], s20  }
0x9f: {  	s4 =	ssub.s32 $0x0, s20;
	[sflag:s22] =	ssyncset.done $0x0  }
0xa0: {  	[sflag:s22] =	ssyncadd.s32 s4;
	_ =	sdelay $0x1  }
0xa1: {  	s23 =	simm.s32 $0x1B8B  }
0xa2: {  	_ =	swait.ge [sflag:s23], $0x1  }
0xa3: {  	[sflag:s23] =	ssyncset.done $0x0  }
0xa4: {  	s25 =	simm.s32 $0x1B8E;
	s24 =	sld [smem:$0x3FFE];
	[sflag:s23] =	ssyncadd.s32 $0xFFFFFFFF  }
0xa5: {  	s26 =	simm.s32 $execute0_lowered;
	[smem:$0x3FD2] =	sst s25  }
0xa6: {  	s5 =	sshll.u32 s26, $0x1;
	_ =	strace $0x80000046;
	[dreg:$0x1] =	wrdreg $0xFFFFFFFF  }
0xa7: {  	s28 =	simm.s32 $_size_execute0_lowered;
	s3 =	sadd.s32 s3, s5;
	[dreg:$0x0] =	wrdreg $0x0  }
0xa8: {  	s5 =	sshll.u32 s28, $0x1;
	[dreg:$0x2] =	wrdreg s3  }
0xa9: {  	[dreg:$0x3] =	wrdreg s5  }
0xaa: {  	[dreg:$0x4] =	wrdreg $0xC0  }
0xab: {  	_ =	task [dreg:s7], $0x5FFFF  }
0xac: {  	[dreg:$0x1] =	wrdreg $0xFFFFFFFF  }
0xad: {  	[dreg:$0x0] =	wrdreg $0x60  }
0xae: {  	[dreg:$0x2] =	wrdreg s24  }
0xaf: {  	[dreg:$0x3] =	wrdreg s2  }
0xb0: {  	[dreg:$0x4] =	wrdreg $0x9  }
0xb1: {  	_ =	task.clear_ibuf [dreg:s7], $0x5FFFF;
	_ =	strace $0x90000046  }
0xb2: {  	s29 =	simm.s32 $0x9;
	_ =	strace $0x80000048  }
0xb3: {  	_ =	swait.ge [sflag:s29], $0x1  }
0xb4: {  	[sflag:s29] =	ssyncadd.s32 $0xFFFFFFFF  }
0xb5: {  	_ =	strace $0x90000048  }
0xb6: {  	_ =	sfence  }
0xb7: {  	s30 =	sld [smem:$0x0];
	_ =	sdelay $0x2  }
0xb8: {  	s31 =	sshll.u32 s1, $0xD;
	s1 =	sshrl.u32 s1, $0x2  }
0xb9: {  	s3 =	sand.u32 $0x4000, s31;
	s1 =	sadd.s32 s1, s30  }
0xba: {  	s0 =	sor.u32 s3, s0;
	s1 =	sshll.u32 s1, $0x11  }
0xbb: {  	s0 =	sor.u32 s1, s0  }
0xbc: {  	s0 =	sadd.s32 $0x8F2B, s0  }
0xbd: {  	[sflag:s0] =	ssyncadd.remote.s32 $0x1  }
0xbe: {  	_ =	sfence.sel $0xFFFF  }
0xbf: {  	[dreg:$0x0] =	wrdreg $0xFFFFFFFF;
	(pc) =	sbr.abs _section_cstart, $3  }
0xc0: {  	[dreg:$0x1] =	wrdreg $0xFFFFFFFF  }
0xc1: {  	_ =	task.clear_ibuf [dreg:s7], $0x2FFFF;
	_ =	strace $0x9FFFFFFF  }
0xc2: {  	(tm) =	ssettm $0x7FFFFFFF  }
0xc3: {  	_ =	shalt  }
tec
execute0_lowered:
.L_overlay_start_1:
0x0: {  	(tag) =	ssettag $0x1  }
0x1: {  	s4 =	rddreg [dreg:$0x0]  }
0x2: {  	s1 =	srdreg.scid;
	s0 =	stileid.u32  }
0x3: {  	s2 =	rddreg [dreg:$0x1];
	s3 =	simm.s32 $0x0;
	s13 =	simm.s32 $0x5  }
0x4: {  	s14 =	simm.s32 $0x80;
	s15 =	simm.s32 $0x1900;
	s16 =	simm.s32 $0x3900  }
0x5: {  	s17 =	simm.s32 $0x1;
	s18 =	simm.s32 $0x100;
	s19 =	simm.s32 $0x5900  }
0x6: {  	s20 =	simm.s32 $0x2;
	s21 =	simm.s32 $0x180;
	s22 =	simm.s32 $0x7900  }
0x7: {  	s23 =	simm.s32 $0x3;
	s24 =	simm.s32 $0x4;
	s25 =	simm.s32 $0x0  }
0x8: {  	s5 =	sand.u32 $0x1, s1;
	s6 =	sshll.u32 s0, $0x1;
	[smem:$0x7FF] =	sst s3  }
0x9: {  	s6 =	sor.u32 s5, s6;
	_ =	strace $0x80000047;
	s5 =	ssub.s32 $0x2, s5  }
0xa: {  	s7 =	smul.u32 $0x320, s6;
	s8 =	sshrl.u32 s5, $0x1;
	s9 =	sshll.u32 s6, $0xA  }
0xb: {  	s31 =	sshll.u32 s6, $0x7;
	s12 =	ssub.s32 s5, s8;
	s5 =	sadd.s32 s2, s9  }
0xc: {  	s8 =	sor.u32 $0x2000, s31;
	s9 =	sor.u32 $0x3000, s31;
	s7 =	sadd.s32 s7, s4  }
0xd: {  	s4 =	sadd.s32 $0x6C00, s4;
	s10 =	sadd.s32 $0x180000, s5;
	s11 =	sadd.s32 $0x188000, s5  }
0xe: {  	s12 =	smax.u32 s12, $0x1;
	s6 =	sadd.s32 $0x800, s7;
	s7 =	sadd.s32 $0x8000, s5  }
.LBB2_1:
0xf: {  	[tilespmem:s3], [sflag:$0x5] =	stream.linear.gather [hbm4b:s6+s3], $0x1900, $0x38;
	[tilespmem:$0x9900] =	vst v63  }
0x10: {  	_ =	swait.ge [sflag:s13], $0x1900  }
0x11: {  	[sflag:s13] =	ssyncset.done $0x0  }
0x12: {  	s26 =	simm.s32 $0x0;
	[sflag:s13] =	ssyncadd.s32 $0xFFFFE700  }
0x13: {  	v2 =	vld [tilespmem:s26+$0x0]  }
0x14: {  	v4 =	vld [tilespmem:s26+$0x10]  }
0x15: {  	v3 =	vld [tilespmem:s26+$0x20]  }
0x16: {  	v1 =	vld [tilespmem:s26+$0x30]  }
0x17: {  	v0 =	vld [tilespmem:s26+$0x40]  }
0x18: {  	v5 =	vshll.u32 v2, $0x1;
	v2 =	vld [tilespmem:s26+$0x50]  }
0x19: {  	s28 =	simm.s32 $0x200;
	[tilespmem:s26+$0x0] =	vst v5;
	v5 =	vshll.u32 v4, $0x1;
	v4 =	vld [tilespmem:s26+$0x60]  }
.LBB2_2:
0x1a: {  	s29 =	sshra.s32 s28, $0x2;
	p0 =	sne.s32 s28, $0x6200;
	[tilespmem:s26+$0x10] =	vst v5;
	v3 =	vshll.u32 v3, $0x1;
	v5 =	vld [tilespmem:s26+$0x70]  }
0x1b: {  	v6 =	vld [tilespmem:s29+$0x0];
	[tilespmem:s26+$0x20] =	vst v3;
	v1 =	vshll.u32 v1, $0x1  }
0x1c: {  	v7 =	vld [tilespmem:s29+$0x10];
	[tilespmem:s26+$0x30] =	vst v1;
	v0 =	vshll.u32 v0, $0x1  }
.Ltmp0:
0x1d: {  	v3 =	vld [tilespmem:s29+$0x20];
	[tilespmem:s26+$0x40] =	vst v0;
	v0 =	vshll.u32 v2, $0x1;
	(pc) =	sbr.rel @p0 .LBB2_2-.Ltmp0, $4  }
0x1e: {  	v1 =	vld [tilespmem:s29+$0x30];
	[tilespmem:s26+$0x50] =	vst v0;
	v2 =	vshll.u32 v4, $0x1  }
0x1f: {  	v0 =	vld [tilespmem:s29+$0x40];
	[tilespmem:s26+$0x60] =	vst v2;
	v4 =	vshll.u32 v5, $0x1  }
0x20: {  	v5 =	vshll.u32 v6, $0x1;
	v2 =	vld [tilespmem:s29+$0x50];
	[tilespmem:s26+$0x70] =	vst v4;
	s26 =	smov.u32 s29  }
0x21: {  	s28 =	sadd.s32 $0x200, s28;
	[tilespmem:s26+$0x0] =	vst v5;
	v5 =	vshll.u32 v7, $0x1;
	v4 =	vld [tilespmem:s26+$0x60]  }
0x22: {  	[tilespmem:s26+$0x10] =	vst v5;
	v3 =	vshll.u32 v3, $0x1;
	v5 =	vld [tilespmem:s26+$0x70]  }
0x23: {  	[tilespmem:s26+$0x20] =	vst v3;
	v1 =	vshll.u32 v1, $0x1  }
0x24: {  	[tilespmem:s26+$0x30] =	vst v1;
	v0 =	vshll.u32 v0, $0x1  }
0x25: {  	[tilespmem:s26+$0x40] =	vst v0;
	v0 =	vshll.u32 v2, $0x1  }
0x26: {  	[tilespmem:s26+$0x50] =	vst v0;
	v0 =	vshll.u32 v4, $0x1  }
0x27: {  	[tilespmem:s26+$0x60] =	vst v0;
	v0 =	vshll.u32 v5, $0x1  }
0x28: {  	s31 =	simm.s32 $0x0;
	[tilespmem:s26+$0x70] =	vst v0  }
0x29: {  	[tilespmem:s15], [sflag:$0x1] =	stream.indirect.gather [hbm4b:s4+s14], $0x40, s31, s14, $0xb8;
	[tilespmem:$0x9900] =	vst v63  }
0x2a: {  	_ = 	snop  }
0x2b: {  	[tilespmem:s16], [sflag:$0x2] =	stream.indirect.gather [hbm4b:s4+s14], $0x40, s14, s14, $0xb8;
	[tilespmem:$0x9900] =	vst v63  }
0x2c: {  	_ =	swait.ge [sflag:s17], $0x2000  }
0x2d: {  	[sflag:s17] =	ssyncset.done $0x0  }
0x2e: {  	s26 =	simm.s32 $0x0;
	[sflag:s17] =	ssyncadd.s32 $0xFFFFE000  }
0x2f: {  	v1 =	vld [tilespmem:s26+$0x1930]  }
0x30: {  	v2 =	vld [tilespmem:s26+$0x1900]  }
0x31: {  	v3 =	vld [tilespmem:s26+$0x1910]  }
0x32: {  	v0 =	vld [tilespmem:s26+$0x1920]  }
0x33: {  	s28 =	simm.s32 $0x100  }
.LBB2_4:
0x34: {  	s29 =	sshra.s32 s28, $0x2;
	p0 =	sne.s32 s28, $0x7F00;
	s28 =	sadd.s32 $0x100, s28;
	v4 =	vmul.f32 $8.000000000e+00, v1  }
.Ltmp1:
0x35: {  	v1 =	vld [tilespmem:s29+$0x1930];
	v5 =	vmul.f32 $8.000000000e+00, v2;
	(pc) =	sbr.rel @p0 .LBB2_4-.Ltmp1, $4  }
0x36: {  	v2 =	vld [tilespmem:s29+$0x1900];
	v6 =	vmul.f32 $8.000000000e+00, v3;
	[tilespmem:s26+$0x5930] =	vst v4  }
0x37: {  	v3 =	vld [tilespmem:s29+$0x1910];
	[tilespmem:s26+$0x5900] =	vst v5;
	v4 =	vmul.f32 $8.000000000e+00, v0  }
0x38: {  	v0 =	vld [tilespmem:s29+$0x1920];
	[tilespmem:s26+$0x5910] =	vst v6  }
0x39: {  	[tilespmem:s26+$0x5920] =	vst v4;
	s26 =	smov.u32 s29  }
0x3a: {  	v1 =	vmul.f32 $8.000000000e+00, v1  }
0x3b: {  	v2 =	vmul.f32 $8.000000000e+00, v2  }
0x3c: {  	v3 =	vmul.f32 $8.000000000e+00, v3;
	[tilespmem:s26+$0x5930] =	vst v1  }
0x3d: {  	[tilespmem:s26+$0x5900] =	vst v2;
	v0 =	vmul.f32 $8.000000000e+00, v0  }
0x3e: {  	[tilespmem:s26+$0x5910] =	vst v3  }
0x3f: {  	[tilespmem:s26+$0x5920] =	vst v0  }
0x40: {  	[tilespmem:s15], [sflag:$0x1] =	stream.indirect.gather [hbm4b:s4+s14], $0x40, s18, s14, $0xb8;
	[tilespmem:$0x9900] =	vst v63  }
0x41: {  	s31 =	simm.s32 $0x0  }
0x42: {  	[hbm4b:s5+s31] =	stream.linear.scatter [tilespmem:s19], [sflag:$0x3], $0x2000, $0x38;
	[tilespmem:$0x9900] =	vst v63  }
0x43: {  	_ =	swait.ge [sflag:s20], $0x2000  }
0x44: {  	[sflag:s20] =	ssyncset.done $0x0  }
0x45: {  	s26 =	simm.s32 $0x0;
	[sflag:s20] =	ssyncadd.s32 $0xFFFFE000  }
0x46: {  	v1 =	vld [tilespmem:s26+$0x3930]  }
0x47: {  	v2 =	vld [tilespmem:s26+$0x3900]  }
0x48: {  	v3 =	vld [tilespmem:s26+$0x3910]  }
0x49: {  	v0 =	vld [tilespmem:s26+$0x3920]  }
0x4a: {  	s28 =	simm.s32 $0x100  }
.LBB2_6:
0x4b: {  	s29 =	sshra.s32 s28, $0x2;
	p0 =	sne.s32 s28, $0x7F00;
	s28 =	sadd.s32 $0x100, s28;
	v4 =	vmul.f32 $8.000000000e+00, v1  }
.Ltmp2:
0x4c: {  	v1 =	vld [tilespmem:s29+$0x3930];
	v5 =	vmul.f32 $8.000000000e+00, v2;
	(pc) =	sbr.rel @p0 .LBB2_6-.Ltmp2, $4  }
0x4d: {  	v2 =	vld [tilespmem:s29+$0x3900];
	v6 =	vmul.f32 $8.000000000e+00, v3;
	[tilespmem:s26+$0x7930] =	vst v4  }
0x4e: {  	v3 =	vld [tilespmem:s29+$0x3910];
	[tilespmem:s26+$0x7900] =	vst v5;
	v4 =	vmul.f32 $8.000000000e+00, v0  }
0x4f: {  	v0 =	vld [tilespmem:s29+$0x3920];
	[tilespmem:s26+$0x7910] =	vst v6  }
0x50: {  	[tilespmem:s26+$0x7920] =	vst v4;
	s26 =	smov.u32 s29  }
0x51: {  	v1 =	vmul.f32 $8.000000000e+00, v1  }
0x52: {  	v2 =	vmul.f32 $8.000000000e+00, v2  }
0x53: {  	v3 =	vmul.f32 $8.000000000e+00, v3;
	[tilespmem:s26+$0x7930] =	vst v1  }
0x54: {  	[tilespmem:s26+$0x7900] =	vst v2;
	v0 =	vmul.f32 $8.000000000e+00, v0  }
0x55: {  	[tilespmem:s26+$0x7910] =	vst v3  }
0x56: {  	[tilespmem:s26+$0x7920] =	vst v0  }
0x57: {  	[tilespmem:s16], [sflag:$0x2] =	stream.indirect.gather [hbm4b:s4+s14], $0x40, s21, s14, $0xb8;
	[tilespmem:$0x9900] =	vst v63  }
0x58: {  	s26 =	simm.s32 $0x0  }
0x59: {  	[hbm4b:s7+s26] =	stream.linear.scatter [tilespmem:s22], [sflag:$0x4], $0x2000, $0x38;
	[tilespmem:$0x9900] =	vst v63  }
.LBB2_8:
0x5a: {  	_ =	swait.ge [sflag:s17], $0x2000  }
0x5b: {  	[sflag:s17] =	ssyncset.done $0x0  }
0x5c: {  	[sflag:s17] =	ssyncadd.s32 $0xFFFFE000  }
0x5d: {  	_ =	swait.ge [sflag:s23], $0x2000  }
0x5e: {  	[sflag:s23] =	ssyncset.done $0x0  }
0x5f: {  	s28 =	simm.s32 $0x0;
	[sflag:s23] =	ssyncadd.s32 $0xFFFFE000  }
0x60: {  	v1 =	vld [tilespmem:s28+$0x1930]  }
0x61: {  	v2 =	vld [tilespmem:s28+$0x1900]  }
0x62: {  	v3 =	vld [tilespmem:s28+$0x1910]  }
0x63: {  	v0 =	vld [tilespmem:s28+$0x1920]  }
0x64: {  	s29 =	simm.s32 $0x100  }
.LBB2_9:
0x65: {  	s30 =	sshra.s32 s29, $0x2;
	p0 =	sne.s32 s29, $0x7F00;
	s29 =	sadd.s32 $0x100, s29;
	v4 =	vmul.f32 $8.000000000e+00, v1  }
.Ltmp3:
0x66: {  	v1 =	vld [tilespmem:s30+$0x1930];
	v5 =	vmul.f32 $8.000000000e+00, v2;
	(pc) =	sbr.rel @p0 .LBB2_9-.Ltmp3, $4  }
0x67: {  	v2 =	vld [tilespmem:s30+$0x1900];
	v6 =	vmul.f32 $8.000000000e+00, v3;
	[tilespmem:s28+$0x5930] =	vst v4  }
0x68: {  	v3 =	vld [tilespmem:s30+$0x1910];
	[tilespmem:s28+$0x5900] =	vst v5;
	v4 =	vmul.f32 $8.000000000e+00, v0  }
0x69: {  	v0 =	vld [tilespmem:s30+$0x1920];
	[tilespmem:s28+$0x5910] =	vst v6  }
0x6a: {  	[tilespmem:s28+$0x5920] =	vst v4;
	s28 =	smov.u32 s30  }
0x6b: {  	v1 =	vmul.f32 $8.000000000e+00, v1  }
0x6c: {  	v2 =	vmul.f32 $8.000000000e+00, v2  }
0x6d: {  	v3 =	vmul.f32 $8.000000000e+00, v3;
	[tilespmem:s28+$0x5930] =	vst v1  }
0x6e: {  	s29 =	sshll.u32 s26, $0x8;
	[tilespmem:s28+$0x5900] =	vst v2;
	v0 =	vmul.f32 $8.000000000e+00, v0  }
0x6f: {  	s29 =	sand.u32 $0x3FFFFF00, s29;
	[tilespmem:s28+$0x5910] =	vst v3  }
0x70: {  	s30 =	sadd.s32 $0x200, s29;
	[tilespmem:s28+$0x5920] =	vst v0;
	s28 =	sshll.u32 s26, $0xD  }
0x71: {  	[tilespmem:s15], [sflag:$0x1] =	stream.indirect.gather [hbm4b:s4+s14], $0x40, s30, s14, $0xb8;
	[tilespmem:$0x9900] =	vst v63  }
0x72: {  	s30 =	sadd.s32 s8, s28  }
0x73: {  	s30 =	sshll.u32 s30, $0x3  }
0x74: {  	s30 =	sand.u32 $0x1FFFFC00, s30  }
0x75: {  	s31 =	simm.s32 $0x0;
	s30 =	sadd.s32 s2, s30  }
0x76: {  	[hbm4b:s30+s31] =	stream.linear.scatter [tilespmem:s19], [sflag:$0x3], $0x2000, $0x38;
	[tilespmem:$0x9900] =	vst v63  }
0x77: {  	_ =	swait.ge [sflag:s20], $0x2000  }
0x78: {  	[sflag:s20] =	ssyncset.done $0x0  }
0x79: {  	[sflag:s20] =	ssyncadd.s32 $0xFFFFE000  }
0x7a: {  	_ =	swait.ge [sflag:s24], $0x2000  }
0x7b: {  	[sflag:s24] =	ssyncset.done $0x0  }
0x7c: {  	s30 =	simm.s32 $0x0;
	[sflag:s24] =	ssyncadd.s32 $0xFFFFE000  }
0x7d: {  	v1 =	vld [tilespmem:s30+$0x3930]  }
0x7e: {  	v2 =	vld [tilespmem:s30+$0x3900]  }
0x7f: {  	v3 =	vld [tilespmem:s30+$0x3910]  }
0x80: {  	v0 =	vld [tilespmem:s30+$0x3920]  }
0x81: {  	s31 =	simm.s32 $0x100  }
.LBB2_11:
0x82: {  	s1 =	sshra.s32 s31, $0x2;
	p0 =	sne.s32 s31, $0x7F00;
	s31 =	sadd.s32 $0x100, s31;
	v4 =	vmul.f32 $8.000000000e+00, v1  }
.Ltmp4:
0x83: {  	v1 =	vld [tilespmem:s1+$0x3930];
	v5 =	vmul.f32 $8.000000000e+00, v2;
	(pc) =	sbr.rel @p0 .LBB2_11-.Ltmp4, $4  }
0x84: {  	v2 =	vld [tilespmem:s1+$0x3900];
	v6 =	vmul.f32 $8.000000000e+00, v3;
	[tilespmem:s30+$0x7930] =	vst v4  }
0x85: {  	v3 =	vld [tilespmem:s1+$0x3910];
	[tilespmem:s30+$0x7900] =	vst v5;
	v4 =	vmul.f32 $8.000000000e+00, v0  }
0x86: {  	v0 =	vld [tilespmem:s1+$0x3920];
	[tilespmem:s30+$0x7910] =	vst v6  }
0x87: {  	[tilespmem:s30+$0x7920] =	vst v4;
	s30 =	smov.u32 s1  }
0x88: {  	v1 =	vmul.f32 $8.000000000e+00, v1  }
0x89: {  	v2 =	vmul.f32 $8.000000000e+00, v2  }
0x8a: {  	v3 =	vmul.f32 $8.000000000e+00, v3;
	[tilespmem:s30+$0x7930] =	vst v1  }
0x8b: {  	[tilespmem:s30+$0x7900] =	vst v2;
	v0 =	vmul.f32 $8.000000000e+00, v0  }
0x8c: {  	s26 =	sadd.s32 $0x1, s26;
	[tilespmem:s30+$0x7910] =	vst v3  }
0x8d: {  	s1 =	sadd.s32 $0x280, s29;
	p0 =	sne.s32 s26, $0x17;
	[tilespmem:s30+$0x7920] =	vst v0  }
0x8e: {  	[tilespmem:s16], [sflag:$0x2] =	stream.indirect.gather [hbm4b:s4+s14], $0x40, s1, s14, $0xb8;
	[tilespmem:$0x9900] =	vst v63  }
.Ltmp5:
0x8f: {  	s31 =	sadd.s32 s9, s28;
	(pc) =	sbr.rel @p0 .LBB2_8-.Ltmp5, $4  }
0x90: {  	s1 =	sshll.u32 s31, $0x3  }
0x91: {  	s1 =	sand.u32 $0x1FFFFC00, s1  }
0x92: {  	s1 =	sadd.s32 s2, s1  }
0x93: {  	[hbm4b:s1+s3] =	stream.linear.scatter [tilespmem:s22], [sflag:$0x4], $0x2000, $0x38;
	[tilespmem:$0x9900] =	vst v63  }
0x94: {  	_ =	swait.ge [sflag:s17], $0x2000  }
0x95: {  	[sflag:s17] =	ssyncset.done $0x0  }
0x96: {  	[sflag:s17] =	ssyncadd.s32 $0xFFFFE000  }
0x97: {  	_ =	swait.ge [sflag:s23], $0x2000  }
0x98: {  	[sflag:s23] =	ssyncset.done $0x0  }
0x99: {  	s26 =	simm.s32 $0x0;
	[sflag:s23] =	ssyncadd.s32 $0xFFFFE000  }
0x9a: {  	v1 =	vld [tilespmem:s26+$0x1930]  }
0x9b: {  	v2 =	vld [tilespmem:s26+$0x1900]  }
0x9c: {  	v3 =	vld [tilespmem:s26+$0x1910]  }
0x9d: {  	v0 =	vld [tilespmem:s26+$0x1920]  }
0x9e: {  	s28 =	simm.s32 $0x100  }
.LBB2_14:
0x9f: {  	s1 =	sshra.s32 s28, $0x2;
	p0 =	sne.s32 s28, $0x7F00;
	s28 =	sadd.s32 $0x100, s28;
	v4 =	vmul.f32 $8.000000000e+00, v1  }
.Ltmp6:
0xa0: {  	v1 =	vld [tilespmem:s1+$0x1930];
	v5 =	vmul.f32 $8.000000000e+00, v2;
	(pc) =	sbr.rel @p0 .LBB2_14-.Ltmp6, $4  }
0xa1: {  	v2 =	vld [tilespmem:s1+$0x1900];
	v6 =	vmul.f32 $8.000000000e+00, v3;
	[tilespmem:s26+$0x5930] =	vst v4  }
0xa2: {  	v3 =	vld [tilespmem:s1+$0x1910];
	[tilespmem:s26+$0x5900] =	vst v5;
	v4 =	vmul.f32 $8.000000000e+00, v0  }
0xa3: {  	v0 =	vld [tilespmem:s1+$0x1920];
	[tilespmem:s26+$0x5910] =	vst v6  }
0xa4: {  	[tilespmem:s26+$0x5920] =	vst v4;
	s26 =	smov.u32 s1  }
0xa5: {  	v1 =	vmul.f32 $8.000000000e+00, v1  }
0xa6: {  	v2 =	vmul.f32 $8.000000000e+00, v2  }
0xa7: {  	v3 =	vmul.f32 $8.000000000e+00, v3;
	[tilespmem:s26+$0x5930] =	vst v1  }
0xa8: {  	[tilespmem:s26+$0x5900] =	vst v2;
	v0 =	vmul.f32 $8.000000000e+00, v0  }
0xa9: {  	[tilespmem:s26+$0x5910] =	vst v3  }
0xaa: {  	s1 =	simm.s32 $0x0;
	[tilespmem:s26+$0x5920] =	vst v0  }
0xab: {  	[hbm4b:s10+s1] =	stream.linear.scatter [tilespmem:s19], [sflag:$0x3], $0x2000, $0x38;
	[tilespmem:$0x9900] =	vst v63  }
0xac: {  	_ =	swait.ge [sflag:s20], $0x2000  }
0xad: {  	[sflag:s20] =	ssyncset.done $0x0  }
0xae: {  	[sflag:s20] =	ssyncadd.s32 $0xFFFFE000  }
0xaf: {  	_ =	swait.ge [sflag:s24], $0x2000  }
0xb0: {  	[sflag:s24] =	ssyncset.done $0x0  }
0xb1: {  	s26 =	simm.s32 $0x0;
	[sflag:s24] =	ssyncadd.s32 $0xFFFFE000  }
0xb2: {  	v1 =	vld [tilespmem:s26+$0x3930]  }
0xb3: {  	v2 =	vld [tilespmem:s26+$0x3900]  }
0xb4: {  	v3 =	vld [tilespmem:s26+$0x3910]  }
0xb5: {  	v0 =	vld [tilespmem:s26+$0x3920]  }
0xb6: {  	s28 =	simm.s32 $0x100  }
.LBB2_16:
0xb7: {  	s1 =	sshra.s32 s28, $0x2;
	p0 =	sne.s32 s28, $0x7F00;
	s28 =	sadd.s32 $0x100, s28;
	v4 =	vmul.f32 $8.000000000e+00, v1  }
.Ltmp7:
0xb8: {  	v1 =	vld [tilespmem:s1+$0x3930];
	v5 =	vmul.f32 $8.000000000e+00, v2;
	(pc) =	sbr.rel @p0 .LBB2_16-.Ltmp7, $4  }
0xb9: {  	v2 =	vld [tilespmem:s1+$0x3900];
	v6 =	vmul.f32 $8.000000000e+00, v3;
	[tilespmem:s26+$0x7930] =	vst v4  }
0xba: {  	v3 =	vld [tilespmem:s1+$0x3910];
	[tilespmem:s26+$0x7900] =	vst v5;
	v4 =	vmul.f32 $8.000000000e+00, v0  }
0xbb: {  	v0 =	vld [tilespmem:s1+$0x3920];
	[tilespmem:s26+$0x7910] =	vst v6  }
0xbc: {  	[tilespmem:s26+$0x7920] =	vst v4;
	s26 =	smov.u32 s1  }
0xbd: {  	v1 =	vmul.f32 $8.000000000e+00, v1  }
0xbe: {  	v2 =	vmul.f32 $8.000000000e+00, v2  }
0xbf: {  	v3 =	vmul.f32 $8.000000000e+00, v3;
	[tilespmem:s26+$0x7930] =	vst v1  }
0xc0: {  	[tilespmem:s26+$0x7900] =	vst v2;
	v0 =	vmul.f32 $8.000000000e+00, v0  }
0xc1: {  	[tilespmem:s26+$0x7910] =	vst v3  }
0xc2: {  	s25 =	sadd.s32 $0x1, s25;
	[tilespmem:s26+$0x7920] =	vst v0  }
0xc3: {  	[hbm4b:s11+s3] =	stream.linear.scatter [tilespmem:s22], [sflag:$0x4], $0x2000, $0x38;
	[tilespmem:$0x9900] =	vst v63  }
0xc4: {  	p0 =	sne.s32 s25, s12;
	_ =	swait.ge [sflag:s23], $0x2000  }
.Ltmp8:
0xc5: {  	[sflag:s23] =	ssyncset.done $0x0;
	(pc) =	sbr.rel @p0 .LBB2_1-.Ltmp8, $4  }
0xc6: {  	[sflag:s23] =	ssyncadd.s32 $0xFFFFE000  }
0xc7: {  	_ =	swait.ge [sflag:s24], $0x2000  }
0xc8: {  	[sflag:s24] =	ssyncset.done $0x0  }
0xc9: {  	[sflag:s24] =	ssyncadd.s32 $0xFFFFE000  }
0xca: {  	_ =	sfence.sel $0x180000  }
0xcb: {  	[bflag:$0x0] =	sbarrier.arrive $0xFFFF  }
0xcc: {  	_ =	strace $0x90000047  }
0xcd: {  	[bflag:$0x2] =	sbarrier.arrive $0xFFFF  }
0xce: {  	p0 =	sne.s32 s0, $0x0;
	s0 =	rddreg [dreg:$0x2]  }
0xcf: {  	s0 =	sadd.s32 @!p0 $0x100000, s0  }
0xd0: {  	[sflag:s0] =	ssyncadd.tile.s32 @!p0 $0x1;
	_ =	shalt  }
.Lfunc_end2:
_tile_overlayer_lowered:
.L_overlay_start_2:
0xd1: {  	(tag) =	ssettag $0x2  }
0xd2: {  	s0 =	rddreg [dreg:$0x0];
	s2 =	stileid.u32  }
0xd3: {  	s1 =	rddreg [dreg:$0x1];
	p0 =	sne.s32 s2, $0x0  }
0xd4: {  	s3 =	rddreg [dreg:$0x2];
	[bflag:$0x3] =	sbarrier.arrive $0xFFFF;
	s2 =	simm.s32 @!p0 $0x1C05  }
0xd5: {  	[timem:s3], [sflag:s2] =	dma.local @!p0 [hbm:s0], s1  }
0xd6: {  	s0 =	simm.s32 @!p0 $0x5  }
0xd7: {  	_ =	swait.ge @!p0 [sflag:s0], s1  }
0xd8: {  	s1 =	ssub.s32 @!p0 $0x0, s1;
	[sflag:s0] =	ssyncset.done @!p0 $0x0  }
0xd9: {  	[sflag:s0] =	ssyncadd.s32 @!p0 s1  }
0xda: {  	[bflag:$0x3] =	sbarrier.arrive $0xFFFF  }
0xdb: {  	_ =	shalt  }

// kernel: sparse-core-data-format-call.cloned.1.call-start
scs
called_computation_lowered:
.L_overlay_start_0:
0x0: {  	s2 =	sld [smem:$0x3FD9]  }
0x1: {  	s3 =	sld [smem:$0x3FFE];
	_ =	sdelay $0x1  }
0x2: {  	s1 =	srdreg.scid  }
0x3: {  	s0 =	sand.u32 $0x1, s1  }
0x4: {  	s18 =	sshll.u32 s0, $0xA;
	s2 =	sadd.s32 s3, s2  }
0x5: {  	s2 =	sadd.s32 s2, s18  }
0x6: {  	[smem:$0x3FC6] =	sst s2  }
0x7: {  	_ = 	snop  }
0x8: {  	s2 =	sld [smem:$0x3FD0];
	(tm) =	ssettm $0x1  }
0x9: {  	s19 =	sld [smem:$0x3FFB];
	_ =	sdelay $0x3  }
0xa: {  	_ =	strace s19  }
0xb: {  	s3 =	sld [smem:$0x3FFC];
	_ =	sdelay $0x3  }
0xc: {  	_ =	strace s3  }
0xd: {  	s3 =	sld [smem:$0x3FFD];
	_ =	sdelay $0x3  }
0xe: {  	_ =	strace s3  }
0xf: {  	_ =	strace $0x8FFFFFFF  }
0x10: {  	s20 =	sld [smem:$0x3FDB];
	_ =	sdelay $0x1  }
0x11: {  	s4 =	simm.s32 $_scs_section_size  }
0x12: {  	s5 =	simm.s32 $_size__tile_overlayer_lowered;
	s6 =	simm.s32 $_tile_overlayer_lowered  }
0x13: {  	s23 =	simm.s32 $0x1BFF;
	s22 =	sshll.u32 s6, $0x1;
	s3 =	sadd.s32 s4, s20  }
0x14: {  	s7 =	simm.s32 $0x0;
	s21 =	sshll.u32 s5, $0x1;
	s5 =	sadd.s32 s22, s3  }
0x15: {  	[timem:s7], [sflag:s23] =	dma.local [hbm:s5], s21  }
0x16: {  	_ =	swait.ge [sflag:s23], s21  }
0x17: {  	s4 =	ssub.s32 $0x0, s21;
	[sflag:s23] =	ssyncset.done $0x0  }
0x18: {  	[sflag:s23] =	ssyncadd.s32 s4;
	_ =	sdelay $0x1  }
0x19: {  	s24 =	simm.s32 $0x1B8B  }
0x1a: {  	_ =	swait.ge [sflag:s24], $0x1  }
0x1b: {  	[sflag:s24] =	ssyncset.done $0x0  }
0x1c: {  	s26 =	simm.s32 $0x1B8E;
	s25 =	sld [smem:$0x3FFE];
	[sflag:s24] =	ssyncadd.s32 $0xFFFFFFFF  }
0x1d: {  	s27 =	simm.s32 $execute0_lowered;
	[smem:$0x3FD2] =	sst s26  }
0x1e: {  	s5 =	sshll.u32 s27, $0x1;
	_ =	strace $0x80000049;
	[dreg:$0x1] =	wrdreg $0xFFFFFFFF  }
0x1f: {  	s28 =	simm.s32 $_size_execute0_lowered;
	s3 =	sadd.s32 s3, s5;
	[dreg:$0x0] =	wrdreg $0x0  }
0x20: {  	s5 =	sshll.u32 s28, $0x1;
	[dreg:$0x2] =	wrdreg s3  }
0x21: {  	[dreg:$0x3] =	wrdreg s5  }
0x22: {  	[dreg:$0x4] =	wrdreg $0xC0  }
0x23: {  	_ =	task [dreg:s7], $0x5FFFF  }
0x24: {  	[dreg:$0x1] =	wrdreg $0xFFFFFFFF  }
0x25: {  	[dreg:$0x0] =	wrdreg $0x60  }
0x26: {  	[dreg:$0x2] =	wrdreg s25  }
0x27: {  	[dreg:$0x3] =	wrdreg s2  }
0x28: {  	[dreg:$0x4] =	wrdreg $0x9  }
0x29: {  	_ =	task.clear_ibuf [dreg:s7], $0x5FFFF;
	_ =	strace $0x90000049  }
0x2a: {  	s29 =	simm.s32 $0x9;
	_ =	strace $0x8000004B  }
0x2b: {  	_ =	swait.ge [sflag:s29], $0x1  }
0x2c: {  	[sflag:s29] =	ssyncadd.s32 $0xFFFFFFFF  }
0x2d: {  	_ =	strace $0x9000004B  }
0x2e: {  	_ =	sfence  }
0x2f: {  	s30 =	sld [smem:$0x0];
	_ =	sdelay $0x2  }
0x30: {  	s31 =	sshll.u32 s1, $0xD;
	s1 =	sshrl.u32 s1, $0x2  }
0x31: {  	s3 =	sand.u32 $0x4000, s31;
	s1 =	sadd.s32 s1, s30  }
0x32: {  	s0 =	sor.u32 s3, s0;
	s1 =	sshll.u32 s1, $0x11  }
0x33: {  	s0 =	sor.u32 s1, s0  }
0x34: {  	s0 =	sadd.s32 $0x8F2B, s0  }
0x35: {  	[sflag:s0] =	ssyncadd.remote.s32 $0x1  }
0x36: {  	_ =	sfence.sel $0xFFFF  }
0x37: {  	[dreg:$0x0] =	wrdreg $0xFFFFFFFF;
	(pc) =	sbr.abs _section_cstart, $3  }
0x38: {  	[dreg:$0x1] =	wrdreg $0xFFFFFFFF  }
0x39: {  	_ =	task.clear_ibuf [dreg:s7], $0x2FFFF;
	_ =	strace $0x9FFFFFFF  }
0x3a: {  	(tm) =	ssettm $0x7FFFFFFF  }
0x3b: {  	_ =	shalt  }
tec
execute0_lowered:
.L_overlay_start_1:
0x0: {  	(tag) =	ssettag $0x1  }
0x1: {  	s0 =	srdreg.scid  }
0x2: {  	s1 =	sshll.u32 s0, $0x4  }
0x3: {  	s5 =	rddreg [dreg:$0x0];
	s0 =	stileid.u32;
	s1 =	sand.u32 $0x10, s1  }
0x4: {  	s3 =	rddreg [dreg:$0x1];
	s31 =	simm.s32 $0x2;
	s4 =	sor.u32 s0, s1  }
0x5: {  	s13 =	simm.s32 $0x0;
	s9 =	simm.s32 $0x400;
	s2 =	sshll.u32 s4, $0x7  }
0x6: {  	s10 =	simm.s32 $0x8000;
	s14 =	simm.s32 $0x0;
	s6 =	ssub.s32 $0x1000, s2  }
0x7: {  	s1 =	rddreg [dreg:$0x2];
	_ =	strace $0x8000004A;
	s7 =	sand.u32 $0xF80, s6  }
0x8: {  	s4 =	sshll.u32 s4, $0xB;
	p0 =	sne.s32 s7, $0x0;
	s7 =	simm.s32 $0x1  }
.Ltmp0:
0x9: {  	s6 =	sshrl.u32 s6, $0xC;
	s7 =	simm.s32 @!p0 $0x0;
	(pc) =	sbr.rel .LBB1_1-.Ltmp0, $4  }
0xa: {  	s8 =	sadd.s32 s4, s5;
	s4 =	simm.s32 $0x1;
	s30 =	sadd.s32 s7, s6  }
0xb: {  	s11 =	simm.s32 $0x0;
	[sflag:s4] =	ssyncpa.u1 $0x0;
	s5 =	smul.u32 $0x19, s30  }
0xc: {  	s12 =	simm.s32 $0x0;
	[sflag:s31] =	ssyncpa.u1 $0x0;
	p0 =	por $0x0, $0x0  }
0xd: {  	s6 =	sadd.s32 $0x800, s8;
	s7 =	sadd.s32 $0x10800, s8;
	s8 =	sadd.s32 $0x1, s5  }
.LBB1_7:
0xe: {  	s15 =	sadd.s32 $0x2, s11  }
0xf: {  	p2 =	sgt.s32 s15, $0x31  }
0x10: {  	s15 =	simm.s32 @p2 $0x0;
	p2 =	sne.s32 s12, s8  }
.Ltmp1:
0x11: {  	p1 =	slt.u32 s12, $0x2;
	(pc) =	sbr.rel @!p2 .LBB1_8-.Ltmp1, $4  }
0x12: {  	s13 =	simm.s32 @!p1 $0x2  }
0x13: {  	s16 =	sadd.s32 $0x1, s12;
	s14 =	smov.u32 s11;
	_ =	swait.ge @!p1 [sflag:s13], $0x4000  }
0x14: {  	p0 =	por !p0, !p0;
	s12 =	smov.u32 s16;
	[sflag:s13] =	ssyncset.done @!p1 $0x0  }
0x15: {  	s11 =	smov.u32 s15;
	[sflag:s13] =	ssyncadd.s32 @!p1 $0xFFFFC000;
	s13 =	smov.u32 s2  }
.LBB1_1:
0x16: {  	p1 =	sge.u32 s12, s5  }
0x17: {  	s15 =	sxor.u32 @!p1 $0xFFFFFFFF, s12  }
0x18: {  	s16 =	sshll.u32 @!p1 s11, $0x10;
	s18 =	simm.s32 @!p1 $0x40;
	s15 =	sshll.u32 @!p1 s15, $0xE  }
0x19: {  	s19 =	simm.s32 @!p1 $0x80;
	s17 =	sadd.s32 @!p1 s16, s6;
	s15 =	sand.u32 @!p1 $0x4000, s15  }
0x1a: {  	[tilespmem:s15], [sflag:$0x1] =	stream.strided.gather @!p1 [hbm4b:s17+s18], $0x2000, s19, s18, $0x38;
	[tilespmem:$0x10100] =	vst v63  }
0x1b: {  	s31 =	sadd.s32 $0xFFFFFFFF, s12;
	s16 =	sadd.s32 @!p1 s16, s7;
	s15 =	sor.u32 @!p1 $0x2000, s15  }
0x1c: {  	[tilespmem:s15], [sflag:$0x1] =	stream.strided.gather @!p1 [hbm4b:s16+s18], $0x2000, s19, s18, $0x38;
	[tilespmem:$0x10100] =	vst v63  }
0x1d: {  	p1 =	sge.u32 s31, s5  }
.Ltmp2:
0x1e: {  	_ = 	snop;
	(pc) =	sbr.rel @p1 .LBB1_7-.Ltmp2, $1  }
0x1f: {  	_ =	sdelay $0x3  }
0x20: {  	s15 =	simm.s32 $0x1;
	s17 =	sand.u32 $0x1, s12  }
0x21: {  	_ =	swait.ge [sflag:s4], $0x4000;
	s15 =	simm.s32 @!p0 $0x0;
	s17 =	smul.u32 $0x10200, s17  }
0x22: {  	p2 =	por $0x1, $0x1;
	[sflag:s4] =	ssyncset.done $0x0;
	s16 =	smul.u32 $0x10200, s15  }
0x23: {  	s18 =	sshll.u32 s15, $0x10;
	[sflag:s4] =	ssyncadd.s32 $0xFFFFC000;
	s30 =	sshrl.u32 s17, $0x2  }
0x24: {  	s31 =	sshrl.u32 s18, $0x2;
	s18 =	simm.s32 $0x0;
	s16 =	sshrl.u32 s16, $0x2  }
0x25: {  	s15 =	sor.u32 $0x8000, s30;
	s17 =	sadd.s32 $0x20, s31;
	s16 =	sor.u32 $0x8000, s16  }
.LBB1_3:
0x26: {  	s19 =	sshll.u32 s18, $0xD  }
0x27: {  	s19 =	sand.u32 $0x3FFFE000, s19  }
0x28: {  	s21 =	sadd.s32 s19, s17  }
0x29: {  	s31 =	smul.u32 $0x8100, s18;
	v3 =	vld [tilespmem:s21+$0x10]  }
0x2a: {  	v1 =	vld [tilespmem:s21+$0xFFFFFFF0]  }
0x2b: {  	s18 =	sshra.s32 s31, $0x2;
	v0 =	vld [tilespmem:s21+$0x0]  }
0x2c: {  	s18 =	sadd.s32 s18, s16;
	v2 =	vld [tilespmem:s21+$0xFFFFFFE0]  }
0x2d: {  	s19 =	sadd.s32 $0x0, s18  }
0x2e: {  	p1 =	por p2, p2;
	s20 =	simm.s32 $0x4;
	s21 =	sadd.s32 $0x40, s21;
	[tilespmem:s19+$0x1830 ss:$0x81] =	vst.msk $0xffff, v3  }
.LBB1_4:
0x2f: {  	v3 =	vld [tilespmem:s21+$0x10];
	p2 =	sne.s32 s20, $0x1FC;
	[tilespmem:s19+$0x810 ss:$0x81] =	vst.msk $0xffff, v1;
	s22 =	smov.u32 s20;
	s20 =	sadd.s32 $0x4, s20  }
.Ltmp3:
0x30: {  	v1 =	vld [tilespmem:s21+$0xFFFFFFF0];
	[tilespmem:s19+$0x1020 ss:$0x81] =	vst.msk $0xffff, v0;
	(pc) =	sbr.rel @p2 .LBB1_4-.Ltmp3, $4  }
0x31: {  	v0 =	vld [tilespmem:s21+$0x0];
	[tilespmem:s19+$0x0 ss:$0x81] =	vst.msk $0xffff, v2  }
0x32: {  	s19 =	sshra.s32 s22, $0x2;
	v2 =	vld [tilespmem:s21+$0xFFFFFFE0]  }
0x33: {  	s19 =	sadd.s32 s19, s18  }
0x34: {  	s21 =	sadd.s32 $0x40, s21;
	[tilespmem:s19+$0x1830 ss:$0x81] =	vst.msk $0xffff, v3  }
.Ltmp4:
0x35: {  	(pc) =	sbr.rel @p1 .LBB1_3-.Ltmp4, $4  }
0x36: {  	_ = 	snop  }
0x37: {  	[tilespmem:s19+$0x810 ss:$0x81] =	vst.msk $0xffff, v1  }
0x38: {  	[tilespmem:s19+$0x1020 ss:$0x81] =	vst.msk $0xffff, v0  }
0x39: {  	s18 =	simm.s32 $0x1;
	p2 =	por $0x0, $0x0;
	[tilespmem:s19+$0x0 ss:$0x81] =	vst.msk $0xffff, v2  }
.Ltmp5:
0x3a: {  	(pc) =	sbr.rel .LBB1_7-.Ltmp5, $4  }
0x3b: {  	s14 =	sshll.u32 s14, $0xF  }
0x3c: {  	s14 =	sadd.s32 s3, s14  }
0x3d: {  	s13 =	sadd.s32 s13, s14  }
0x3e: {  	[hbm4b:s13+s9] =	stream.strided.scatter [tilespmem:s15], [sflag:$0x2], $0x4000, s10, s9, $0x20;
	[tilespmem:$0x10100] =	vst v63  }
.LBB1_8:
0x3f: {  	_ =	sfence.sel $0x180000  }
0x40: {  	s2 =	simm.s32 $0x1;
	[bflag:$0x0] =	sbarrier.arrive $0xFFFF  }
0x41: {  	s31 =	simm.s32 $0x2;
	[sflag:s2] =	ssyncpa.u1 $0x1  }
0x42: {  	[sflag:s31] =	ssyncpa.u1 $0x1  }
0x43: {  	p0 =	sne.s32 s0, $0x0;
	_ =	strace $0x9000004A  }
0x44: {  	s0 =	sadd.s32 @!p0 $0x100000, s1;
	[bflag:$0x2] =	sbarrier.arrive $0xFFFF  }
0x45: {  	[sflag:s0] =	ssyncadd.tile.s32 @!p0 $0x1;
	_ =	shalt  }
.Lfunc_end1:
_tile_overlayer_lowered:
.L_overlay_start_2:
0x46: {  	(tag) =	ssettag $0x2  }
0x47: {  	s0 =	rddreg [dreg:$0x0];
	s2 =	stileid.u32  }
0x48: {  	s1 =	rddreg [dreg:$0x1];
	p0 =	sne.s32 s2, $0x0  }
0x49: {  	s3 =	rddreg [dreg:$0x2];
	[bflag:$0x3] =	sbarrier.arrive $0xFFFF;
	s2 =	simm.s32 @!p0 $0x1C01  }
0x4a: {  	[timem:s3], [sflag:s2] =	dma.local @!p0 [hbm:s0], s1  }
0x4b: {  	s0 =	simm.s32 @!p0 $0x1  }
0x4c: {  	_ =	swait.ge @!p0 [sflag:s0], s1  }
0x4d: {  	s1 =	ssub.s32 @!p0 $0x0, s1;
	[sflag:s0] =	ssyncset.done @!p0 $0x0  }
0x4e: {  	[sflag:s0] =	ssyncadd.s32 @!p0 s1  }
0x4f: {  	[bflag:$0x3] =	sbarrier.arrive $0xFFFF  }
0x50: {  	_ =	shalt  }

</sc_bundles>
